<compile_context>
chip_gen: v7x
topology: tpu7x:2x2x1
jax: 0.10.2.dev20260603
libtpu: 0.0.44.dev20260713+nightly
codegen_flags: <defaults>
</compile_context>

<pallas_src>
import jax
import jax.numpy as jnp
from jax import lax
from jax.experimental import pallas as pl
from jax.experimental.pallas import tpu as pltpu
from jax.experimental.pallas import tpu_sc as plsc

N = 5000
NUM_CLASSES = 8
IOU_THRESHOLD = 0.5
L = 16
NIN = 5008
KCAP = 5024

_MESH = plsc.VectorSubcoreMesh(core_axis_name="c", subcore_axis_name="s",
                               num_cores=2, num_subcores=16)


def _lane_max(v, iota):
    for sh in (1, 2, 4, 8):
        v = jnp.maximum(v, jnp.take(v, iota ^ sh))
    return v


def _sc_nms_body(ycs_h, xcs_h, hs_h, ws_h, order_h, meta_h, out_h,
                 yc_v, xc_v, h_v, w_v, ord_v, meta_v,
                 ky1, kx1, ky2, kx2, kar, keep_v, keep2_v):
    cid = lax.axis_index("c")
    sid = lax.axis_index("s")

    @pl.when((cid == 0) & (sid < NUM_CLASSES))
    def _():
        wid = sid
        pltpu.sync_copy(ycs_h, yc_v)
        pltpu.sync_copy(xcs_h, xc_v)
        pltpu.sync_copy(hs_h, h_v)
        pltpu.sync_copy(ws_h, w_v)
        pltpu.sync_copy(order_h, ord_v)
        pltpu.sync_copy(meta_h, meta_v)

        iota = lax.iota(jnp.int32, L)
        widv = jnp.full((L,), wid, jnp.int32)
        start = plsc.load_gather(meta_v, [widv])[0].astype(jnp.int32)
        cnt = plsc.load_gather(meta_v, [widv + NUM_CLASSES])[0].astype(
            jnp.int32)

        def zero_body(i, carry):
            keep_v[pl.ds(i * L, L)] = jnp.zeros((L,), jnp.float32)
            return carry

        lax.fori_loop(0, NIN // L, zero_body, 0)

        sent1 = jnp.full((L,), 3.0e30, jnp.float32)
        sent2 = jnp.full((L,), -3.0e30, jnp.float32)
        zero = jnp.zeros((L,), jnp.float32)

        def sent_body(i, carry):
            sl = pl.ds(i * L, L)
            ky1[sl] = sent1
            kx1[sl] = sent1
            ky2[sl] = sent2
            kx2[sl] = sent2
            kar[sl] = zero
            return carry

        lax.fori_loop(0, KCAP // L, sent_body, 0)

        lane0 = iota == 0

        def fetch(gidx):
            oidx = plsc.load_gather(ord_v, [gidx]).astype(jnp.int32)
            ycc = plsc.load_gather(yc_v, [oidx])
            xcc = plsc.load_gather(xc_v, [oidx])
            hc = jnp.abs(plsc.load_gather(h_v, [oidx]))
            wc = jnp.abs(plsc.load_gather(w_v, [oidx]))
            return (ycc - 0.5 * hc, xcc - 0.5 * wc,
                    ycc + 0.5 * hc, xcc + 0.5 * wc, hc * wc)

        def iou_gt(y1a, x1a, y2a, x2a, aa, y1b, x1b, y2b, x2b, ab):
            iy1 = jnp.maximum(y1a, y1b)
            ix1 = jnp.maximum(x1a, x1b)
            iy2 = jnp.minimum(y2a, y2b)
            ix2 = jnp.minimum(x2a, x2b)
            ih = jnp.maximum(iy2 - iy1, 0.0)
            iw = jnp.maximum(ix2 - ix1, 0.0)
            inter = ih * iw
            union = aa + ab - inter
            iou = inter / jnp.maximum(union, 1e-9)
            return jnp.where(iou > IOU_THRESHOLD, 1.0, 0.0)

        npairs = (cnt + 1) // 2

        def cand2(p, kcnt):
            g0 = start + 2 * p
            gidx0 = jnp.full((L,), g0, jnp.int32)
            gidx1 = gidx0 + 1
            a = fetch(gidx0)
            b = fetch(gidx1)

            def sweep(sl, hits):
                hA, hB = hits
                k1 = ky1[sl]
                k2 = kx1[sl]
                k3 = ky2[sl]
                k4 = kx2[sl]
                k5 = kar[sl]
                hA = jnp.maximum(hA, iou_gt(k1, k2, k3, k4, k5, *a))
                hB = jnp.maximum(hB, iou_gt(k1, k2, k3, k4, k5, *b))
                return hA, hB

            nch2 = (kcnt + (2 * L - 1)) // (2 * L)

            def chunk(cix, hits):
                base = cix * (2 * L)
                hits = sweep(pl.ds(base, L), hits)
                return sweep(pl.ds(base + L, L), hits)

            z = jnp.zeros((L,), jnp.float32)
            hA, hB = lax.fori_loop(0, nch2, chunk, (z, z))

            supA = _lane_max(hA, iota)[0] > 0.5
            keptA = jnp.logical_not(supA)
            abhit = iou_gt(*a, *b)[0] > 0.5
            validB = (2 * p + 1) < cnt
            supB = (_lane_max(hB, iota)[0] > 0.5) | (keptA & abhit)
            keptB = jnp.logical_not(supB) & validB

            plsc.store_scatter(
                keep_v, [gidx0],
                jnp.full((L,), jnp.where(supA, 0.0, 1.0), jnp.float32),
                mask=lane0)
            plsc.store_scatter(
                keep_v, [gidx1],
                jnp.full((L,), jnp.where(supB, 0.0, 1.0), jnp.float32),
                mask=lane0 & validB)

            ia = jnp.where(keptA, 1, 0)
            amaskA = lane0 & keptA
            amaskB = lane0 & keptB
            kvecA = jnp.full((L,), kcnt, jnp.int32)
            kvecB = kvecA + ia
            plsc.store_scatter(ky1, [kvecA], a[0], mask=amaskA)
            plsc.store_scatter(kx1, [kvecA], a[1], mask=amaskA)
            plsc.store_scatter(ky2, [kvecA], a[2], mask=amaskA)
            plsc.store_scatter(kx2, [kvecA], a[3], mask=amaskA)
            plsc.store_scatter(kar, [kvecA], a[4], mask=amaskA)
            plsc.store_scatter(ky1, [kvecB], b[0], mask=amaskB)
            plsc.store_scatter(kx1, [kvecB], b[1], mask=amaskB)
            plsc.store_scatter(ky2, [kvecB], b[2], mask=amaskB)
            plsc.store_scatter(kx2, [kvecB], b[3], mask=amaskB)
            plsc.store_scatter(kar, [kvecB], b[4], mask=amaskB)
            return kcnt + ia + jnp.where(keptB, 1, 0)

        lax.fori_loop(0, npairs, cand2, jnp.int32(0))

        def copy_body(i, carry):
            sl = pl.ds(i * L, L)
            keep2_v[sl] = keep_v[sl]
            return carry

        lax.fori_loop(0, NIN // L, copy_body, 0)

        pltpu.sync_copy(keep2_v, out_h.at[wid])


_sc_nms = pl.kernel(
    _sc_nms_body,
    out_type=jax.ShapeDtypeStruct((NUM_CLASSES, NIN), jnp.float32),
    mesh=_MESH,
    compiler_params=pltpu.CompilerParams(needs_layout_passes=False),
    scratch_types=[
        pltpu.VMEM((NIN,), jnp.float32),
        pltpu.VMEM((NIN,), jnp.float32),
        pltpu.VMEM((NIN,), jnp.float32),
        pltpu.VMEM((NIN,), jnp.float32),
        pltpu.VMEM((NIN,), jnp.float32),
        pltpu.VMEM((L,), jnp.float32),
        pltpu.VMEM((KCAP,), jnp.float32),
        pltpu.VMEM((KCAP,), jnp.float32),
        pltpu.VMEM((KCAP,), jnp.float32),
        pltpu.VMEM((KCAP,), jnp.float32),
        pltpu.VMEM((KCAP,), jnp.float32),
        pltpu.VMEM((NIN,), jnp.float32),
        pltpu.VMEM((NIN,), jnp.float32),
    ],
)


@jax.jit
def kernel(boxes, labels, scores):
    lab = labels.astype(jnp.int32)
    order = jnp.lexsort((-scores, lab))
    counts = jnp.zeros((NUM_CLASSES,), jnp.int32).at[lab].add(1)
    starts = jnp.concatenate([jnp.zeros((1,), jnp.int32),
                              jnp.cumsum(counts)[:-1].astype(jnp.int32)])
    meta = jnp.concatenate([starts, counts]).astype(jnp.float32)

    ordf = jnp.zeros((NIN,), jnp.float32).at[:N].set(order.astype(jnp.float32))

    def padded(col):
        return jnp.zeros((NIN,), jnp.float32).at[:N].set(col)

    bx = boxes.astype(jnp.float32)
    out8 = _sc_nms(padded(bx[:, 0]), padded(bx[:, 1]), padded(bx[:, 2]),
                   padded(bx[:, 3]), ordf, meta)

    keep_sorted = jnp.sum(out8, axis=0)[:N]
    m = jnp.zeros((N,), jnp.float32).at[order].set(keep_sorted)
    return jnp.concatenate([boxes * m[:, None], (scores * m)[:, None]], axis=1)

# --- scband reference (transcript-rebuilt; emitter-appended) ---
"""Pipeline reference for scband-object-detection-module-27599459844430 (READ-ONLY COPY).

The authoritative reference and input builder live on the scoring server;
editing this copy changes nothing except your own understanding.
"""

import jax, jax.numpy as jnp
import numpy as np

N = 5000
NUM_CLASSES = 8
IOU_THRESHOLD = 0.5


def setup_inputs(seed: int = 0) -> dict:
    key = jax.random.key(seed)
    k1, k2, k3, k4 = jax.random.split(key, 4)
    # yxhw boxes: centers uniform over a 512x512 image, sizes in [8, 128]
    centers = jax.random.uniform(k1, (N, 2), dtype=jnp.float32, minval=0.0, maxval=512.0)
    sizes = jax.random.uniform(k2, (N, 2), dtype=jnp.float32, minval=8.0, maxval=128.0)
    boxes = jnp.concatenate([centers, sizes], axis=1)  # [N, 4] = (yc, xc, h, w)
    scores = jax.random.uniform(k3, (N,), dtype=jnp.float32)
    labels = jax.random.randint(k4, (N,), 0, NUM_CLASSES, dtype=jnp.int64 if jax.config.jax_enable_x64 else jnp.int32)
    return {"boxes": boxes, "labels": labels, "scores": scores}


def _nms_yxhw(boxes, labels, scores, iou_threshold):
    # Greedy class-aware NMS, faithful to torchvision-style nms applied per label.
    n = boxes.shape[0]
    order = jnp.argsort(-scores)           # score-descending order
    b = boxes[order]
    lab = labels[order]

    yc, xc = b[:, 0], b[:, 1]
    h, w = jnp.abs(b[:, 2]), jnp.abs(b[:, 3])
    y1 = yc - h / 2.0
    x1 = xc - w / 2.0
    y2 = yc + h / 2.0
    x2 = xc + w / 2.0
    area = h * w

    # Pairwise IoU matrix [N, N] -- O(N^2) compute
    iy1 = jnp.maximum(y1[:, None], y1[None, :])
    ix1 = jnp.maximum(x1[:, None], x1[None, :])
    iy2 = jnp.minimum(y2[:, None], y2[None, :])
    ix2 = jnp.minimum(x2[:, None], x2[None, :])
    ih = jnp.clip(iy2 - iy1, 0.0)
    iw = jnp.clip(ix2 - ix1, 0.0)
    inter = ih * iw
    union = area[:, None] + area[None, :] - inter
    iou = inter / jnp.maximum(union, 1e-9)

    same_label = lab[:, None] == lab[None, :]
    suppress = (iou > iou_threshold) & same_label

    idx = jnp.arange(n)

    def body(i, keep):
        # if box i (in score order) is still kept, suppress all later boxes it overlaps
        row = suppress[i] & keep[i] & (idx > i)
        return keep & (~row)

    keep_sorted = jax.lax.fori_loop(0, n, body, jnp.ones((n,), dtype=bool))

    inv = jnp.argsort(order)
    keep = keep_sorted[inv]               # back to original box order
    m = keep.astype(boxes.dtype)
    # fixed-shape NMS output: survivors retain values, suppressed boxes zeroed
    out = jnp.concatenate([boxes * m[:, None], (scores * m)[:, None]], axis=1)  # [N, 5]
    return out


def reference(boxes, labels, scores):
    return _nms_yxhw(boxes, labels, scores, IOU_THRESHOLD)

if __name__ == "__main__":
    import jax
    _d = setup_inputs()
    print(jax.jit(kernel)(*tuple(_d.values())))

</pallas_src>

<mosaic_0001>
#map = affine_map<(d0, d1) -> (0)>
#map1 = affine_map<(d0, d1) -> (0, 0)>
module attributes {stable_mosaic.version = 14 : i64} {
  func.func @_sc_nms_body(%arg0: i32, %arg1: i32, %arg2: memref<5008xf32, #tpu.memory_space<hbm>>, %arg3: memref<5008xf32, #tpu.memory_space<hbm>>, %arg4: memref<5008xf32, #tpu.memory_space<hbm>>, %arg5: memref<5008xf32, #tpu.memory_space<hbm>>, %arg6: memref<5008xf32, #tpu.memory_space<hbm>>, %arg7: memref<16xf32, #tpu.memory_space<hbm>>, %arg8: memref<8x5008xf32, #tpu.memory_space<hbm>>, %arg9: memref<5008xf32, #tpu.memory_space<vmem>>, %arg10: memref<5008xf32, #tpu.memory_space<vmem>>, %arg11: memref<5008xf32, #tpu.memory_space<vmem>>, %arg12: memref<5008xf32, #tpu.memory_space<vmem>>, %arg13: memref<5008xf32, #tpu.memory_space<vmem>>, %arg14: memref<16xf32, #tpu.memory_space<vmem>>, %arg15: memref<5024xf32, #tpu.memory_space<vmem>>, %arg16: memref<5024xf32, #tpu.memory_space<vmem>>, %arg17: memref<5024xf32, #tpu.memory_space<vmem>>, %arg18: memref<5024xf32, #tpu.memory_space<vmem>>, %arg19: memref<5024xf32, #tpu.memory_space<vmem>>, %arg20: memref<5008xf32, #tpu.memory_space<vmem>>, %arg21: memref<5008xf32, #tpu.memory_space<vmem>>) attributes {dimension_semantics = [#tpu.dimension_semantics<core_parallel>, #tpu.dimension_semantics<subcore_parallel>], iteration_bounds = array<i64: 2, 16>, scalar_prefetch = 0 : i64, scratch_operands = 13 : i64, tpu.core_type = #tpu.core_type<sc_vector_subcore>, window_params = [{transform_indices = #map}, {transform_indices = #map}, {transform_indices = #map}, {transform_indices = #map}, {transform_indices = #map}, {transform_indices = #map}, {transform_indices = #map1}]} {
    %eq3A = arith.constant 0 : i32
    %eq3A_0 = arith.cmpi eq, %arg0, %eq3A : i32
    %lt3A = arith.constant 8 : i32
    %lt3A_1 = arith.cmpi slt, %arg1, %lt3A : i32
    %and3A = arith.andi %eq3A_0, %lt3A_1 : i1
    %convert_element_type3A = arith.extui %and3A : i1 to i32
    %cond3A = arith.constant 0 : i32
    %cond3A_2 = arith.cmpi ne, %convert_element_type3A, %cond3A : i32
    scf.if %cond3A_2 {
      "tpu.region"() ({
        %run_scoped3A = tpu.sem_alloc : memref<!tpu.dma_semaphore, #tpu.memory_space<semaphore_mem>>
        tpu.enqueue_dma source(%arg2 : memref<5008xf32, #tpu.memory_space<hbm>>) target(%arg9 : memref<5008xf32, #tpu.memory_space<vmem>>) target_semaphore(%run_scoped3A : memref<!tpu.dma_semaphore, #tpu.memory_space<semaphore_mem>>)
        tpu.wait_dma2 semaphore(%run_scoped3A : memref<!tpu.dma_semaphore, #tpu.memory_space<semaphore_mem>>) src(%arg2 : memref<5008xf32, #tpu.memory_space<hbm>>) dst(%arg9 : memref<5008xf32, #tpu.memory_space<vmem>>)
        tpu.yield
      }) : () -> ()
      "tpu.region"() ({
        %run_scoped3A = tpu.sem_alloc : memref<!tpu.dma_semaphore, #tpu.memory_space<semaphore_mem>>
        tpu.enqueue_dma source(%arg3 : memref<5008xf32, #tpu.memory_space<hbm>>) target(%arg10 : memref<5008xf32, #tpu.memory_space<vmem>>) target_semaphore(%run_scoped3A : memref<!tpu.dma_semaphore, #tpu.memory_space<semaphore_mem>>)
        tpu.wait_dma2 semaphore(%run_scoped3A : memref<!tpu.dma_semaphore, #tpu.memory_space<semaphore_mem>>) src(%arg3 : memref<5008xf32, #tpu.memory_space<hbm>>) dst(%arg10 : memref<5008xf32, #tpu.memory_space<vmem>>)
        tpu.yield
      }) : () -> ()
      "tpu.region"() ({
        %run_scoped3A = tpu.sem_alloc : memref<!tpu.dma_semaphore, #tpu.memory_space<semaphore_mem>>
        tpu.enqueue_dma source(%arg4 : memref<5008xf32, #tpu.memory_space<hbm>>) target(%arg11 : memref<5008xf32, #tpu.memory_space<vmem>>) target_semaphore(%run_scoped3A : memref<!tpu.dma_semaphore, #tpu.memory_space<semaphore_mem>>)
        tpu.wait_dma2 semaphore(%run_scoped3A : memref<!tpu.dma_semaphore, #tpu.memory_space<semaphore_mem>>) src(%arg4 : memref<5008xf32, #tpu.memory_space<hbm>>) dst(%arg11 : memref<5008xf32, #tpu.memory_space<vmem>>)
        tpu.yield
      }) : () -> ()
      "tpu.region"() ({
        %run_scoped3A = tpu.sem_alloc : memref<!tpu.dma_semaphore, #tpu.memory_space<semaphore_mem>>
        tpu.enqueue_dma source(%arg5 : memref<5008xf32, #tpu.memory_space<hbm>>) target(%arg12 : memref<5008xf32, #tpu.memory_space<vmem>>) target_semaphore(%run_scoped3A : memref<!tpu.dma_semaphore, #tpu.memory_space<semaphore_mem>>)
        tpu.wait_dma2 semaphore(%run_scoped3A : memref<!tpu.dma_semaphore, #tpu.memory_space<semaphore_mem>>) src(%arg5 : memref<5008xf32, #tpu.memory_space<hbm>>) dst(%arg12 : memref<5008xf32, #tpu.memory_space<vmem>>)
        tpu.yield
      }) : () -> ()
      "tpu.region"() ({
        %run_scoped3A = tpu.sem_alloc : memref<!tpu.dma_semaphore, #tpu.memory_space<semaphore_mem>>
        tpu.enqueue_dma source(%arg6 : memref<5008xf32, #tpu.memory_space<hbm>>) target(%arg13 : memref<5008xf32, #tpu.memory_space<vmem>>) target_semaphore(%run_scoped3A : memref<!tpu.dma_semaphore, #tpu.memory_space<semaphore_mem>>)
        tpu.wait_dma2 semaphore(%run_scoped3A : memref<!tpu.dma_semaphore, #tpu.memory_space<semaphore_mem>>) src(%arg6 : memref<5008xf32, #tpu.memory_space<hbm>>) dst(%arg13 : memref<5008xf32, #tpu.memory_space<vmem>>)
        tpu.yield
      }) : () -> ()
      "tpu.region"() ({
        %run_scoped3A = tpu.sem_alloc : memref<!tpu.dma_semaphore, #tpu.memory_space<semaphore_mem>>
        tpu.enqueue_dma source(%arg7 : memref<16xf32, #tpu.memory_space<hbm>>) target(%arg14 : memref<16xf32, #tpu.memory_space<vmem>>) target_semaphore(%run_scoped3A : memref<!tpu.dma_semaphore, #tpu.memory_space<semaphore_mem>>)
        tpu.wait_dma2 semaphore(%run_scoped3A : memref<!tpu.dma_semaphore, #tpu.memory_space<semaphore_mem>>) src(%arg7 : memref<16xf32, #tpu.memory_space<hbm>>) dst(%arg14 : memref<16xf32, #tpu.memory_space<vmem>>)
        tpu.yield
      }) : () -> ()
      %iota3A = tpu.iota {dimensions = array<i32: 0>} : vector<16xi32>
      %broadcast_in_dim3A = vector.broadcast %arg1 : i32 to vector<16xi32>
      %gather3A = tpu.vector_load_idx %arg14[%broadcast_in_dim3A] : memref<16xf32, #tpu.memory_space<vmem>>[vector<16xi32>], vector<16xf32>,
      %slice3A = vector.extract_strided_slice %gather3A {offsets = [0], sizes = [1], strides = [1]} : vector<16xf32> to vector<1xf32>
      %squeeze3A = vector.extract %slice3A[0] : f32 from vector<1xf32>
      %convert_element_type3A_3 = arith.fptosi %squeeze3A : f32 to i32
      %add3A = arith.constant 8 : i32
      %add3A_4 = vector.broadcast %add3A : i32 to vector<16xi32>
      %add3A_5 = arith.addi %broadcast_in_dim3A, %add3A_4 : vector<16xi32>
      %gather3A_6 = tpu.vector_load_idx %arg14[%add3A_5] : memref<16xf32, #tpu.memory_space<vmem>>[vector<16xi32>], vector<16xf32>,
      %slice3A_7 = vector.extract_strided_slice %gather3A_6 {offsets = [0], sizes = [1], strides = [1]} : vector<16xf32> to vector<1xf32>
      %squeeze3A_8 = vector.extract %slice3A_7[0] : f32 from vector<1xf32>
      %convert_element_type3A_9 = arith.fptosi %squeeze3A_8 : f32 to i32
      %scan3A = arith.constant 0 : i32
      %scan3A_10 = arith.constant 0 : i32
      %scan3A_11 = arith.constant 313 : i32
      %scan3A_12 = arith.addi %scan3A_10, %scan3A_11 : i32
      %scan3A_13 = arith.constant 1 : i32
      scf.for %scan3A_66 = %scan3A_10 to %scan3A_12 step %scan3A_13  : i32 {
        %broadcast_in_dim3A_67 = arith.constant 0.000000e+00 : f32
        %broadcast_in_dim3A_68 = vector.broadcast %broadcast_in_dim3A_67 : f32 to vector<16xf32>
        %mul3A = arith.constant 16 : i32
        %mul3A_69 = arith.muli %scan3A_66, %mul3A : i32
        %swap3A = arith.index_cast %mul3A_69 : i32 to index
        %swap3A_70 = tpu.vector_load %arg20[%swap3A] {strides = array<i32>} : memref<5008xf32, #tpu.memory_space<vmem>>, vector<16xf32>,
        tpu.vector_store %arg20[%swap3A], %broadcast_in_dim3A_68 {strides = array<i32>} : memref<5008xf32, #tpu.memory_space<vmem>>, vector<16xf32>,
      }
      %scan3A_14 = arith.constant 313 : i32
      %broadcast_in_dim3A_15 = arith.constant 3.000000e+30 : f32
      %broadcast_in_dim3A_16 = vector.broadcast %broadcast_in_dim3A_15 : f32 to vector<16xf32>
      %broadcast_in_dim3A_17 = arith.constant -3.000000e+30 : f32
      %broadcast_in_dim3A_18 = vector.broadcast %broadcast_in_dim3A_17 : f32 to vector<16xf32>
      %broadcast_in_dim3A_19 = arith.constant 0.000000e+00 : f32
      %broadcast_in_dim3A_20 = vector.broadcast %broadcast_in_dim3A_19 : f32 to vector<16xf32>
      %scan3A_21 = arith.constant 0 : i32
      %scan3A_22 = arith.constant 0 : i32
      %scan3A_23 = arith.constant 314 : i32
      %scan3A_24 = arith.addi %scan3A_22, %scan3A_23 : i32
      %scan3A_25 = arith.constant 1 : i32
      scf.for %scan3A_66 = %scan3A_22 to %scan3A_24 step %scan3A_25  : i32 {
        %mul3A = arith.constant 16 : i32
        %mul3A_67 = arith.muli %scan3A_66, %mul3A : i32
        %swap3A = arith.index_cast %mul3A_67 : i32 to index
        %swap3A_68 = tpu.vector_load %arg15[%swap3A] {strides = array<i32>} : memref<5024xf32, #tpu.memory_space<vmem>>, vector<16xf32>,
        tpu.vector_store %arg15[%swap3A], %broadcast_in_dim3A_16 {strides = array<i32>} : memref<5024xf32, #tpu.memory_space<vmem>>, vector<16xf32>,
        %swap3A_69 = arith.index_cast %mul3A_67 : i32 to index
        %swap3A_70 = tpu.vector_load %arg16[%swap3A_69] {strides = array<i32>} : memref<5024xf32, #tpu.memory_space<vmem>>, vector<16xf32>,
        tpu.vector_store %arg16[%swap3A_69], %broadcast_in_dim3A_16 {strides = array<i32>} : memref<5024xf32, #tpu.memory_space<vmem>>, vector<16xf32>,
        %swap3A_71 = arith.index_cast %mul3A_67 : i32 to index
        %swap3A_72 = tpu.vector_load %arg17[%swap3A_71] {strides = array<i32>} : memref<5024xf32, #tpu.memory_space<vmem>>, vector<16xf32>,
        tpu.vector_store %arg17[%swap3A_71], %broadcast_in_dim3A_18 {strides = array<i32>} : memref<5024xf32, #tpu.memory_space<vmem>>, vector<16xf32>,
        %swap3A_73 = arith.index_cast %mul3A_67 : i32 to index
        %swap3A_74 = tpu.vector_load %arg18[%swap3A_73] {strides = array<i32>} : memref<5024xf32, #tpu.memory_space<vmem>>, vector<16xf32>,
        tpu.vector_store %arg18[%swap3A_73], %broadcast_in_dim3A_18 {strides = array<i32>} : memref<5024xf32, #tpu.memory_space<vmem>>, vector<16xf32>,
        %swap3A_75 = arith.index_cast %mul3A_67 : i32 to index
        %swap3A_76 = tpu.vector_load %arg19[%swap3A_75] {strides = array<i32>} : memref<5024xf32, #tpu.memory_space<vmem>>, vector<16xf32>,
        tpu.vector_store %arg19[%swap3A_75], %broadcast_in_dim3A_20 {strides = array<i32>} : memref<5024xf32, #tpu.memory_space<vmem>>, vector<16xf32>,
      }
      %scan3A_26 = arith.constant 314 : i32
      %eq3A_27 = arith.constant 0 : i32
      %eq3A_28 = vector.broadcast %eq3A_27 : i32 to vector<16xi32>
      %eq3A_29 = arith.cmpi eq, %iota3A, %eq3A_28 : vector<16xi32>
      %add3A_30 = arith.constant 1 : i32
      %add3A_31 = arith.addi %convert_element_type3A_9, %add3A_30 : i32
      %jit3A = arith.constant 2 : i32
      %div3A = arith.divsi %add3A_31, %jit3A : i32
      %sign3A = arith.constant 0 : i32
      %sign3A_32 = arith.cmpi sgt, %add3A_31, %sign3A : i32
      %sign3A_33 = arith.extui %sign3A_32 : i1 to i32
      %sign3A_34 = arith.constant 0 : i32
      %sign3A_35 = arith.cmpi slt, %add3A_31, %sign3A_34 : i32
      %sign3A_36 = arith.extui %sign3A_35 : i1 to i32
      %sign3A_37 = arith.subi %sign3A_33, %sign3A_36 : i32
      %sign3A_38 = arith.constant 0 : i32
      %sign3A_39 = arith.cmpi sgt, %jit3A, %sign3A_38 : i32
      %sign3A_40 = arith.extui %sign3A_39 : i1 to i32
      %sign3A_41 = arith.constant 0 : i32
      %sign3A_42 = arith.cmpi slt, %jit3A, %sign3A_41 : i32
      %sign3A_43 = arith.extui %sign3A_42 : i1 to i32
      %sign3A_44 = arith.subi %sign3A_40, %sign3A_43 : i32
      %ne3A = arith.cmpi ne, %sign3A_37, %sign3A_44 : i32
      %rem3A = arith.remsi %add3A_31, %jit3A : i32
      %ne3A_45 = arith.constant 0 : i32
      %ne3A_46 = arith.cmpi ne, %rem3A, %ne3A_45 : i32
      %and3A_47 = arith.andi %ne3A, %ne3A_46 : i1
      %sub3A = arith.constant 1 : i32
      %sub3A_48 = arith.subi %div3A, %sub3A : i32
      %select_n3A = arith.select %and3A_47, %sub3A_48, %div3A : i32
      %while3A = arith.constant 0 : i32
      %while3A_49 = arith.constant 0 : i32
      %while3A_50 = arith.subi %select_n3A, %while3A : i32
      %while3A_51 = arith.addi %while3A, %while3A_50 : i32
      %while3A_52 = arith.constant 1 : i32
      %while3A_53 = arith.divsi %while3A_50, %while3A_52 : i32
      %while3A_54 = arith.muli %while3A_53, %while3A_52 : i32
      %while3A_55 = arith.addi %while3A, %while3A_54 : i32
      %while3A_56 = arith.constant 1 : i32
      %while3A_57 = scf.for %while3A_66 = %while3A to %while3A_55 step %while3A_56 iter_args(%while3A_67 = %while3A_49) -> (i32)  : i32 {
        %mul3A = arith.constant 2 : i32
        %mul3A_68 = arith.muli %mul3A, %while3A_66 : i32
        %add3A_69 = arith.addi %convert_element_type3A_3, %mul3A_68 : i32
        %broadcast_in_dim3A_70 = vector.broadcast %add3A_69 : i32 to vector<16xi32>
        %add3A_71 = arith.constant 1 : i32
        %add3A_72 = vector.broadcast %add3A_71 : i32 to vector<16xi32>
        %add3A_73 = arith.addi %broadcast_in_dim3A_70, %add3A_72 : vector<16xi32>
        %gather3A_74 = tpu.vector_load_idx %arg13[%broadcast_in_dim3A_70] : memref<5008xf32, #tpu.memory_space<vmem>>[vector<16xi32>], vector<16xf32>,
        %convert_element_type3A_75 = arith.fptosi %gather3A_74 : vector<16xf32> to vector<16xi32>
        %gather3A_76 = tpu.vector_load_idx %arg9[%convert_element_type3A_75] : memref<5008xf32, #tpu.memory_space<vmem>>[vector<16xi32>], vector<16xf32>,
        %gather3A_77 = tpu.vector_load_idx %arg10[%convert_element_type3A_75] : memref<5008xf32, #tpu.memory_space<vmem>>[vector<16xi32>], vector<16xf32>,
        %gather3A_78 = tpu.vector_load_idx %arg11[%convert_element_type3A_75] : memref<5008xf32, #tpu.memory_space<vmem>>[vector<16xi32>], vector<16xf32>,
        %abs3A = math.absf %gather3A_78 : vector<16xf32>
        %gather3A_79 = tpu.vector_load_idx %arg12[%convert_element_type3A_75] : memref<5008xf32, #tpu.memory_space<vmem>>[vector<16xi32>], vector<16xf32>,
        %abs3A_80 = math.absf %gather3A_79 : vector<16xf32>
        %mul3A_81 = arith.constant 5.000000e-01 : f32
        %mul3A_82 = vector.broadcast %mul3A_81 : f32 to vector<16xf32>
        %mul3A_83 = arith.mulf %mul3A_82, %abs3A : vector<16xf32>
        %sub3A_84 = arith.subf %gather3A_76, %mul3A_83 : vector<16xf32>
        %mul3A_85 = arith.constant 5.000000e-01 : f32
        %mul3A_86 = vector.broadcast %mul3A_85 : f32 to vector<16xf32>
        %mul3A_87 = arith.mulf %mul3A_86, %abs3A_80 : vector<16xf32>
        %sub3A_88 = arith.subf %gather3A_77, %mul3A_87 : vector<16xf32>
        %mul3A_89 = arith.constant 5.000000e-01 : f32
        %mul3A_90 = vector.broadcast %mul3A_89 : f32 to vector<16xf32>
        %mul3A_91 = arith.mulf %mul3A_90, %abs3A : vector<16xf32>
        %add3A_92 = arith.addf %gather3A_76, %mul3A_91 : vector<16xf32>
        %mul3A_93 = arith.constant 5.000000e-01 : f32
        %mul3A_94 = vector.broadcast %mul3A_93 : f32 to vector<16xf32>
        %mul3A_95 = arith.mulf %mul3A_94, %abs3A_80 : vector<16xf32>
        %add3A_96 = arith.addf %gather3A_77, %mul3A_95 : vector<16xf32>
        %mul3A_97 = arith.mulf %abs3A, %abs3A_80 : vector<16xf32>
        %gather3A_98 = tpu.vector_load_idx %arg13[%add3A_73] : memref<5008xf32, #tpu.memory_space<vmem>>[vector<16xi32>], vector<16xf32>,
        %convert_element_type3A_99 = arith.fptosi %gather3A_98 : vector<16xf32> to vector<16xi32>
        %gather3A_100 = tpu.vector_load_idx %arg9[%convert_element_type3A_99] : memref<5008xf32, #tpu.memory_space<vmem>>[vector<16xi32>], vector<16xf32>,
        %gather3A_101 = tpu.vector_load_idx %arg10[%convert_element_type3A_99] : memref<5008xf32, #tpu.memory_space<vmem>>[vector<16xi32>], vector<16xf32>,
        %gather3A_102 = tpu.vector_load_idx %arg11[%convert_element_type3A_99] : memref<5008xf32, #tpu.memory_space<vmem>>[vector<16xi32>], vector<16xf32>,
        %abs3A_103 = math.absf %gather3A_102 : vector<16xf32>
        %gather3A_104 = tpu.vector_load_idx %arg12[%convert_element_type3A_99] : memref<5008xf32, #tpu.memory_space<vmem>>[vector<16xi32>], vector<16xf32>,
        %abs3A_105 = math.absf %gather3A_104 : vector<16xf32>
        %mul3A_106 = arith.constant 5.000000e-01 : f32
        %mul3A_107 = vector.broadcast %mul3A_106 : f32 to vector<16xf32>
        %mul3A_108 = arith.mulf %mul3A_107, %abs3A_103 : vector<16xf32>
        %sub3A_109 = arith.subf %gather3A_100, %mul3A_108 : vector<16xf32>
        %mul3A_110 = arith.constant 5.000000e-01 : f32
        %mul3A_111 = vector.broadcast %mul3A_110 : f32 to vector<16xf32>
        %mul3A_112 = arith.mulf %mul3A_111, %abs3A_105 : vector<16xf32>
        %sub3A_113 = arith.subf %gather3A_101, %mul3A_112 : vector<16xf32>
        %mul3A_114 = arith.constant 5.000000e-01 : f32
        %mul3A_115 = vector.broadcast %mul3A_114 : f32 to vector<16xf32>
        %mul3A_116 = arith.mulf %mul3A_115, %abs3A_103 : vector<16xf32>
        %add3A_117 = arith.addf %gather3A_100, %mul3A_116 : vector<16xf32>
        %mul3A_118 = arith.constant 5.000000e-01 : f32
        %mul3A_119 = vector.broadcast %mul3A_118 : f32 to vector<16xf32>
        %mul3A_120 = arith.mulf %mul3A_119, %abs3A_105 : vector<16xf32>
        %add3A_121 = arith.addf %gather3A_101, %mul3A_120 : vector<16xf32>
        %mul3A_122 = arith.mulf %abs3A_103, %abs3A_105 : vector<16xf32>
        %add3A_123 = arith.constant 31 : i32
        %add3A_124 = arith.addi %while3A_67, %add3A_123 : i32
        %jit3A_125 = arith.constant 32 : i32
        %div3A_126 = arith.divsi %add3A_124, %jit3A_125 : i32
        %sign3A_127 = arith.constant 0 : i32
        %sign3A_128 = arith.cmpi sgt, %add3A_124, %sign3A_127 : i32
        %sign3A_129 = arith.extui %sign3A_128 : i1 to i32
        %sign3A_130 = arith.constant 0 : i32
        %sign3A_131 = arith.cmpi slt, %add3A_124, %sign3A_130 : i32
        %sign3A_132 = arith.extui %sign3A_131 : i1 to i32
        %sign3A_133 = arith.subi %sign3A_129, %sign3A_132 : i32
        %sign3A_134 = arith.constant 0 : i32
        %sign3A_135 = arith.cmpi sgt, %jit3A_125, %sign3A_134 : i32
        %sign3A_136 = arith.extui %sign3A_135 : i1 to i32
        %sign3A_137 = arith.constant 0 : i32
        %sign3A_138 = arith.cmpi slt, %jit3A_125, %sign3A_137 : i32
        %sign3A_139 = arith.extui %sign3A_138 : i1 to i32
        %sign3A_140 = arith.subi %sign3A_136, %sign3A_139 : i32
        %ne3A_141 = arith.cmpi ne, %sign3A_133, %sign3A_140 : i32
        %rem3A_142 = arith.remsi %add3A_124, %jit3A_125 : i32
        %ne3A_143 = arith.constant 0 : i32
        %ne3A_144 = arith.cmpi ne, %rem3A_142, %ne3A_143 : i32
        %and3A_145 = arith.andi %ne3A_141, %ne3A_144 : i1
        %sub3A_146 = arith.constant 1 : i32
        %sub3A_147 = arith.subi %div3A_126, %sub3A_146 : i32
        %select_n3A_148 = arith.select %and3A_145, %sub3A_147, %div3A_126 : i32
        %broadcast_in_dim3A_149 = arith.constant 0.000000e+00 : f32
        %broadcast_in_dim3A_150 = vector.broadcast %broadcast_in_dim3A_149 : f32 to vector<16xf32>
        %while3A_151 = arith.constant 0 : i32
        %while3A_152 = arith.subi %select_n3A_148, %while3A_151 : i32
        %while3A_153 = arith.addi %while3A_151, %while3A_152 : i32
        %while3A_154 = arith.constant 1 : i32
        %while3A_155 = arith.divsi %while3A_152, %while3A_154 : i32
        %while3A_156 = arith.muli %while3A_155, %while3A_154 : i32
        %while3A_157 = arith.addi %while3A_151, %while3A_156 : i32
        %while3A_158 = arith.constant 1 : i32
        %while3A_159:2 = scf.for %while3A_344 = %while3A_151 to %while3A_157 step %while3A_158 iter_args(%while3A_345 = %broadcast_in_dim3A_150, %while3A_346 = %broadcast_in_dim3A_150) -> (vector<16xf32>, vector<16xf32>)  : i32 {
          %mul3A_347 = arith.constant 32 : i32
          %mul3A_348 = arith.muli %while3A_344, %mul3A_347 : i32
          %get3A = arith.index_cast %mul3A_348 : i32 to index
          %get3A_349 = tpu.vector_load %arg15[%get3A] {strides = array<i32>} : memref<5024xf32, #tpu.memory_space<vmem>>, vector<16xf32>,
          %get3A_350 = arith.index_cast %mul3A_348 : i32 to index
          %get3A_351 = tpu.vector_load %arg16[%get3A_350] {strides = array<i32>} : memref<5024xf32, #tpu.memory_space<vmem>>, vector<16xf32>,
          %get3A_352 = arith.index_cast %mul3A_348 : i32 to index
          %get3A_353 = tpu.vector_load %arg17[%get3A_352] {strides = array<i32>} : memref<5024xf32, #tpu.memory_space<vmem>>, vector<16xf32>,
          %get3A_354 = arith.index_cast %mul3A_348 : i32 to index
          %get3A_355 = tpu.vector_load %arg18[%get3A_354] {strides = array<i32>} : memref<5024xf32, #tpu.memory_space<vmem>>, vector<16xf32>,
          %get3A_356 = arith.index_cast %mul3A_348 : i32 to index
          %get3A_357 = tpu.vector_load %arg19[%get3A_356] {strides = array<i32>} : memref<5024xf32, #tpu.memory_space<vmem>>, vector<16xf32>,
          %max3A_358 = arith.maximumf %get3A_349, %sub3A_84 : vector<16xf32>
          %max3A_359 = arith.maximumf %get3A_351, %sub3A_88 : vector<16xf32>
          %min3A_360 = arith.minimumf %get3A_353, %add3A_92 : vector<16xf32>
          %min3A_361 = arith.minimumf %get3A_355, %add3A_96 : vector<16xf32>
          %sub3A_362 = arith.subf %min3A_360, %max3A_358 : vector<16xf32>
          %max3A_363 = arith.constant 0.000000e+00 : f32
          %max3A_364 = vector.broadcast %max3A_363 : f32 to vector<16xf32>
          %max3A_365 = arith.maximumf %sub3A_362, %max3A_364 : vector<16xf32>
          %sub3A_366 = arith.subf %min3A_361, %max3A_359 : vector<16xf32>
          %max3A_367 = arith.constant 0.000000e+00 : f32
          %max3A_368 = vector.broadcast %max3A_367 : f32 to vector<16xf32>
          %max3A_369 = arith.maximumf %sub3A_366, %max3A_368 : vector<16xf32>
          %mul3A_370 = arith.mulf %max3A_365, %max3A_369 : vector<16xf32>
          %add3A_371 = arith.addf %get3A_357, %mul3A_97 : vector<16xf32>
          %sub3A_372 = arith.subf %add3A_371, %mul3A_370 : vector<16xf32>
          %max3A_373 = arith.constant 9.99999971E-10 : f32
          %max3A_374 = vector.broadcast %max3A_373 : f32 to vector<16xf32>
          %max3A_375 = arith.maximumf %sub3A_372, %max3A_374 : vector<16xf32>
          %div3A_376 = arith.divf %mul3A_370, %max3A_375 : vector<16xf32>
          %gt3A_377 = arith.constant 5.000000e-01 : f32
          %gt3A_378 = vector.broadcast %gt3A_377 : f32 to vector<16xf32>
          %gt3A_379 = arith.cmpf ogt, %div3A_376, %gt3A_378 : vector<16xf32>
          %jit3A_380 = arith.constant 1.000000e+00 : f32
          %jit3A_381 = arith.constant 0.000000e+00 : f32
          %broadcast_in_dim3A_382 = vector.broadcast %jit3A_380 : f32 to vector<16xf32>
          %broadcast_in_dim3A_383 = vector.broadcast %jit3A_381 : f32 to vector<16xf32>
          %select_n3A_384 = arith.select %gt3A_379, %broadcast_in_dim3A_382, %broadcast_in_dim3A_383 : vector<16xi1>, vector<16xf32>
          %max3A_385 = arith.maximumf %while3A_345, %select_n3A_384 : vector<16xf32>
          %max3A_386 = arith.maximumf %get3A_349, %sub3A_109 : vector<16xf32>
          %max3A_387 = arith.maximumf %get3A_351, %sub3A_113 : vector<16xf32>
          %min3A_388 = arith.minimumf %get3A_353, %add3A_117 : vector<16xf32>
          %min3A_389 = arith.minimumf %get3A_355, %add3A_121 : vector<16xf32>
          %sub3A_390 = arith.subf %min3A_388, %max3A_386 : vector<16xf32>
          %max3A_391 = arith.constant 0.000000e+00 : f32
          %max3A_392 = vector.broadcast %max3A_391 : f32 to vector<16xf32>
          %max3A_393 = arith.maximumf %sub3A_390, %max3A_392 : vector<16xf32>
          %sub3A_394 = arith.subf %min3A_389, %max3A_387 : vector<16xf32>
          %max3A_395 = arith.constant 0.000000e+00 : f32
          %max3A_396 = vector.broadcast %max3A_395 : f32 to vector<16xf32>
          %max3A_397 = arith.maximumf %sub3A_394, %max3A_396 : vector<16xf32>
          %mul3A_398 = arith.mulf %max3A_393, %max3A_397 : vector<16xf32>
          %add3A_399 = arith.addf %get3A_357, %mul3A_122 : vector<16xf32>
          %sub3A_400 = arith.subf %add3A_399, %mul3A_398 : vector<16xf32>
          %max3A_401 = arith.constant 9.99999971E-10 : f32
          %max3A_402 = vector.broadcast %max3A_401 : f32 to vector<16xf32>
          %max3A_403 = arith.maximumf %sub3A_400, %max3A_402 : vector<16xf32>
          %div3A_404 = arith.divf %mul3A_398, %max3A_403 : vector<16xf32>
          %gt3A_405 = arith.constant 5.000000e-01 : f32
          %gt3A_406 = vector.broadcast %gt3A_405 : f32 to vector<16xf32>
          %gt3A_407 = arith.cmpf ogt, %div3A_404, %gt3A_406 : vector<16xf32>
          %jit3A_408 = arith.constant 1.000000e+00 : f32
          %jit3A_409 = arith.constant 0.000000e+00 : f32
          %broadcast_in_dim3A_410 = vector.broadcast %jit3A_408 : f32 to vector<16xf32>
          %broadcast_in_dim3A_411 = vector.broadcast %jit3A_409 : f32 to vector<16xf32>
          %select_n3A_412 = arith.select %gt3A_407, %broadcast_in_dim3A_410, %broadcast_in_dim3A_411 : vector<16xi1>, vector<16xf32>
          %max3A_413 = arith.maximumf %while3A_346, %select_n3A_412 : vector<16xf32>
          %add3A_414 = arith.constant 16 : i32
          %add3A_415 = arith.addi %mul3A_348, %add3A_414 : i32
          %get3A_416 = arith.index_cast %add3A_415 : i32 to index
          %get3A_417 = tpu.vector_load %arg15[%get3A_416] {strides = array<i32>} : memref<5024xf32, #tpu.memory_space<vmem>>, vector<16xf32>,
          %get3A_418 = arith.index_cast %add3A_415 : i32 to index
          %get3A_419 = tpu.vector_load %arg16[%get3A_418] {strides = array<i32>} : memref<5024xf32, #tpu.memory_space<vmem>>, vector<16xf32>,
          %get3A_420 = arith.index_cast %add3A_415 : i32 to index
          %get3A_421 = tpu.vector_load %arg17[%get3A_420] {strides = array<i32>} : memref<5024xf32, #tpu.memory_space<vmem>>, vector<16xf32>,
          %get3A_422 = arith.index_cast %add3A_415 : i32 to index
          %get3A_423 = tpu.vector_load %arg18[%get3A_422] {strides = array<i32>} : memref<5024xf32, #tpu.memory_space<vmem>>, vector<16xf32>,
          %get3A_424 = arith.index_cast %add3A_415 : i32 to index
          %get3A_425 = tpu.vector_load %arg19[%get3A_424] {strides = array<i32>} : memref<5024xf32, #tpu.memory_space<vmem>>, vector<16xf32>,
          %max3A_426 = arith.maximumf %get3A_417, %sub3A_84 : vector<16xf32>
          %max3A_427 = arith.maximumf %get3A_419, %sub3A_88 : vector<16xf32>
          %min3A_428 = arith.minimumf %get3A_421, %add3A_92 : vector<16xf32>
          %min3A_429 = arith.minimumf %get3A_423, %add3A_96 : vector<16xf32>
          %sub3A_430 = arith.subf %min3A_428, %max3A_426 : vector<16xf32>
          %max3A_431 = arith.constant 0.000000e+00 : f32
          %max3A_432 = vector.broadcast %max3A_431 : f32 to vector<16xf32>
          %max3A_433 = arith.maximumf %sub3A_430, %max3A_432 : vector<16xf32>
          %sub3A_434 = arith.subf %min3A_429, %max3A_427 : vector<16xf32>
          %max3A_435 = arith.constant 0.000000e+00 : f32
          %max3A_436 = vector.broadcast %max3A_435 : f32 to vector<16xf32>
          %max3A_437 = arith.maximumf %sub3A_434, %max3A_436 : vector<16xf32>
          %mul3A_438 = arith.mulf %max3A_433, %max3A_437 : vector<16xf32>
          %add3A_439 = arith.addf %get3A_425, %mul3A_97 : vector<16xf32>
          %sub3A_440 = arith.subf %add3A_439, %mul3A_438 : vector<16xf32>
          %max3A_441 = arith.constant 9.99999971E-10 : f32
          %max3A_442 = vector.broadcast %max3A_441 : f32 to vector<16xf32>
          %max3A_443 = arith.maximumf %sub3A_440, %max3A_442 : vector<16xf32>
          %div3A_444 = arith.divf %mul3A_438, %max3A_443 : vector<16xf32>
          %gt3A_445 = arith.constant 5.000000e-01 : f32
          %gt3A_446 = vector.broadcast %gt3A_445 : f32 to vector<16xf32>
          %gt3A_447 = arith.cmpf ogt, %div3A_444, %gt3A_446 : vector<16xf32>
          %jit3A_448 = arith.constant 1.000000e+00 : f32
          %jit3A_449 = arith.constant 0.000000e+00 : f32
          %broadcast_in_dim3A_450 = vector.broadcast %jit3A_448 : f32 to vector<16xf32>
          %broadcast_in_dim3A_451 = vector.broadcast %jit3A_449 : f32 to vector<16xf32>
          %select_n3A_452 = arith.select %gt3A_447, %broadcast_in_dim3A_450, %broadcast_in_dim3A_451 : vector<16xi1>, vector<16xf32>
          %max3A_453 = arith.maximumf %max3A_385, %select_n3A_452 : vector<16xf32>
          %max3A_454 = arith.maximumf %get3A_417, %sub3A_109 : vector<16xf32>
          %max3A_455 = arith.maximumf %get3A_419, %sub3A_113 : vector<16xf32>
          %min3A_456 = arith.minimumf %get3A_421, %add3A_117 : vector<16xf32>
          %min3A_457 = arith.minimumf %get3A_423, %add3A_121 : vector<16xf32>
          %sub3A_458 = arith.subf %min3A_456, %max3A_454 : vector<16xf32>
          %max3A_459 = arith.constant 0.000000e+00 : f32
          %max3A_460 = vector.broadcast %max3A_459 : f32 to vector<16xf32>
          %max3A_461 = arith.maximumf %sub3A_458, %max3A_460 : vector<16xf32>
          %sub3A_462 = arith.subf %min3A_457, %max3A_455 : vector<16xf32>
          %max3A_463 = arith.constant 0.000000e+00 : f32
          %max3A_464 = vector.broadcast %max3A_463 : f32 to vector<16xf32>
          %max3A_465 = arith.maximumf %sub3A_462, %max3A_464 : vector<16xf32>
          %mul3A_466 = arith.mulf %max3A_461, %max3A_465 : vector<16xf32>
          %add3A_467 = arith.addf %get3A_425, %mul3A_122 : vector<16xf32>
          %sub3A_468 = arith.subf %add3A_467, %mul3A_466 : vector<16xf32>
          %max3A_469 = arith.constant 9.99999971E-10 : f32
          %max3A_470 = vector.broadcast %max3A_469 : f32 to vector<16xf32>
          %max3A_471 = arith.maximumf %sub3A_468, %max3A_470 : vector<16xf32>
          %div3A_472 = arith.divf %mul3A_466, %max3A_471 : vector<16xf32>
          %gt3A_473 = arith.constant 5.000000e-01 : f32
          %gt3A_474 = vector.broadcast %gt3A_473 : f32 to vector<16xf32>
          %gt3A_475 = arith.cmpf ogt, %div3A_472, %gt3A_474 : vector<16xf32>
          %jit3A_476 = arith.constant 1.000000e+00 : f32
          %jit3A_477 = arith.constant 0.000000e+00 : f32
          %broadcast_in_dim3A_478 = vector.broadcast %jit3A_476 : f32 to vector<16xf32>
          %broadcast_in_dim3A_479 = vector.broadcast %jit3A_477 : f32 to vector<16xf32>
          %select_n3A_480 = arith.select %gt3A_475, %broadcast_in_dim3A_478, %broadcast_in_dim3A_479 : vector<16xi1>, vector<16xf32>
          %max3A_481 = arith.maximumf %max3A_413, %select_n3A_480 : vector<16xf32>
          scf.yield %max3A_453, %max3A_481 : vector<16xf32>, vector<16xf32>
        }
        %while3A_160 = arith.constant 1 : i32
        %while3A_161:2 = scf.for %while3A_344 = %while3A_157 to %while3A_153 step %while3A_160 iter_args(%while3A_345 = %while3A_159#0, %while3A_346 = %while3A_159#1) -> (vector<16xf32>, vector<16xf32>)  : i32 {
          %mul3A_347 = arith.constant 32 : i32
          %mul3A_348 = arith.muli %while3A_344, %mul3A_347 : i32
          %get3A = arith.index_cast %mul3A_348 : i32 to index
          %get3A_349 = tpu.vector_load %arg15[%get3A] {strides = array<i32>} : memref<5024xf32, #tpu.memory_space<vmem>>, vector<16xf32>,
          %get3A_350 = arith.index_cast %mul3A_348 : i32 to index
          %get3A_351 = tpu.vector_load %arg16[%get3A_350] {strides = array<i32>} : memref<5024xf32, #tpu.memory_space<vmem>>, vector<16xf32>,
          %get3A_352 = arith.index_cast %mul3A_348 : i32 to index
          %get3A_353 = tpu.vector_load %arg17[%get3A_352] {strides = array<i32>} : memref<5024xf32, #tpu.memory_space<vmem>>, vector<16xf32>,
          %get3A_354 = arith.index_cast %mul3A_348 : i32 to index
          %get3A_355 = tpu.vector_load %arg18[%get3A_354] {strides = array<i32>} : memref<5024xf32, #tpu.memory_space<vmem>>, vector<16xf32>,
          %get3A_356 = arith.index_cast %mul3A_348 : i32 to index
          %get3A_357 = tpu.vector_load %arg19[%get3A_356] {strides = array<i32>} : memref<5024xf32, #tpu.memory_space<vmem>>, vector<16xf32>,
          %max3A_358 = arith.maximumf %get3A_349, %sub3A_84 : vector<16xf32>
          %max3A_359 = arith.maximumf %get3A_351, %sub3A_88 : vector<16xf32>
          %min3A_360 = arith.minimumf %get3A_353, %add3A_92 : vector<16xf32>
          %min3A_361 = arith.minimumf %get3A_355, %add3A_96 : vector<16xf32>
          %sub3A_362 = arith.subf %min3A_360, %max3A_358 : vector<16xf32>
          %max3A_363 = arith.constant 0.000000e+00 : f32
          %max3A_364 = vector.broadcast %max3A_363 : f32 to vector<16xf32>
          %max3A_365 = arith.maximumf %sub3A_362, %max3A_364 : vector<16xf32>
          %sub3A_366 = arith.subf %min3A_361, %max3A_359 : vector<16xf32>
          %max3A_367 = arith.constant 0.000000e+00 : f32
          %max3A_368 = vector.broadcast %max3A_367 : f32 to vector<16xf32>
          %max3A_369 = arith.maximumf %sub3A_366, %max3A_368 : vector<16xf32>
          %mul3A_370 = arith.mulf %max3A_365, %max3A_369 : vector<16xf32>
          %add3A_371 = arith.addf %get3A_357, %mul3A_97 : vector<16xf32>
          %sub3A_372 = arith.subf %add3A_371, %mul3A_370 : vector<16xf32>
          %max3A_373 = arith.constant 9.99999971E-10 : f32
          %max3A_374 = vector.broadcast %max3A_373 : f32 to vector<16xf32>
          %max3A_375 = arith.maximumf %sub3A_372, %max3A_374 : vector<16xf32>
          %div3A_376 = arith.divf %mul3A_370, %max3A_375 : vector<16xf32>
          %gt3A_377 = arith.constant 5.000000e-01 : f32
          %gt3A_378 = vector.broadcast %gt3A_377 : f32 to vector<16xf32>
          %gt3A_379 = arith.cmpf ogt, %div3A_376, %gt3A_378 : vector<16xf32>
          %jit3A_380 = arith.constant 1.000000e+00 : f32
          %jit3A_381 = arith.constant 0.000000e+00 : f32
          %broadcast_in_dim3A_382 = vector.broadcast %jit3A_380 : f32 to vector<16xf32>
          %broadcast_in_dim3A_383 = vector.broadcast %jit3A_381 : f32 to vector<16xf32>
          %select_n3A_384 = arith.select %gt3A_379, %broadcast_in_dim3A_382, %broadcast_in_dim3A_383 : vector<16xi1>, vector<16xf32>
          %max3A_385 = arith.maximumf %while3A_345, %select_n3A_384 : vector<16xf32>
          %max3A_386 = arith.maximumf %get3A_349, %sub3A_109 : vector<16xf32>
          %max3A_387 = arith.maximumf %get3A_351, %sub3A_113 : vector<16xf32>
          %min3A_388 = arith.minimumf %get3A_353, %add3A_117 : vector<16xf32>
          %min3A_389 = arith.minimumf %get3A_355, %add3A_121 : vector<16xf32>
          %sub3A_390 = arith.subf %min3A_388, %max3A_386 : vector<16xf32>
          %max3A_391 = arith.constant 0.000000e+00 : f32
          %max3A_392 = vector.broadcast %max3A_391 : f32 to vector<16xf32>
          %max3A_393 = arith.maximumf %sub3A_390, %max3A_392 : vector<16xf32>
          %sub3A_394 = arith.subf %min3A_389, %max3A_387 : vector<16xf32>
          %max3A_395 = arith.constant 0.000000e+00 : f32
          %max3A_396 = vector.broadcast %max3A_395 : f32 to vector<16xf32>
          %max3A_397 = arith.maximumf %sub3A_394, %max3A_396 : vector<16xf32>
          %mul3A_398 = arith.mulf %max3A_393, %max3A_397 : vector<16xf32>
          %add3A_399 = arith.addf %get3A_357, %mul3A_122 : vector<16xf32>
          %sub3A_400 = arith.subf %add3A_399, %mul3A_398 : vector<16xf32>
          %max3A_401 = arith.constant 9.99999971E-10 : f32
          %max3A_402 = vector.broadcast %max3A_401 : f32 to vector<16xf32>
          %max3A_403 = arith.maximumf %sub3A_400, %max3A_402 : vector<16xf32>
          %div3A_404 = arith.divf %mul3A_398, %max3A_403 : vector<16xf32>
          %gt3A_405 = arith.constant 5.000000e-01 : f32
          %gt3A_406 = vector.broadcast %gt3A_405 : f32 to vector<16xf32>
          %gt3A_407 = arith.cmpf ogt, %div3A_404, %gt3A_406 : vector<16xf32>
          %jit3A_408 = arith.constant 1.000000e+00 : f32
          %jit3A_409 = arith.constant 0.000000e+00 : f32
          %broadcast_in_dim3A_410 = vector.broadcast %jit3A_408 : f32 to vector<16xf32>
          %broadcast_in_dim3A_411 = vector.broadcast %jit3A_409 : f32 to vector<16xf32>
          %select_n3A_412 = arith.select %gt3A_407, %broadcast_in_dim3A_410, %broadcast_in_dim3A_411 : vector<16xi1>, vector<16xf32>
          %max3A_413 = arith.maximumf %while3A_346, %select_n3A_412 : vector<16xf32>
          %add3A_414 = arith.constant 16 : i32
          %add3A_415 = arith.addi %mul3A_348, %add3A_414 : i32
          %get3A_416 = arith.index_cast %add3A_415 : i32 to index
          %get3A_417 = tpu.vector_load %arg15[%get3A_416] {strides = array<i32>} : memref<5024xf32, #tpu.memory_space<vmem>>, vector<16xf32>,
          %get3A_418 = arith.index_cast %add3A_415 : i32 to index
          %get3A_419 = tpu.vector_load %arg16[%get3A_418] {strides = array<i32>} : memref<5024xf32, #tpu.memory_space<vmem>>, vector<16xf32>,
          %get3A_420 = arith.index_cast %add3A_415 : i32 to index
          %get3A_421 = tpu.vector_load %arg17[%get3A_420] {strides = array<i32>} : memref<5024xf32, #tpu.memory_space<vmem>>, vector<16xf32>,
          %get3A_422 = arith.index_cast %add3A_415 : i32 to index
          %get3A_423 = tpu.vector_load %arg18[%get3A_422] {strides = array<i32>} : memref<5024xf32, #tpu.memory_space<vmem>>, vector<16xf32>,
          %get3A_424 = arith.index_cast %add3A_415 : i32 to index
          %get3A_425 = tpu.vector_load %arg19[%get3A_424] {strides = array<i32>} : memref<5024xf32, #tpu.memory_space<vmem>>, vector<16xf32>,
          %max3A_426 = arith.maximumf %get3A_417, %sub3A_84 : vector<16xf32>
          %max3A_427 = arith.maximumf %get3A_419, %sub3A_88 : vector<16xf32>
          %min3A_428 = arith.minimumf %get3A_421, %add3A_92 : vector<16xf32>
          %min3A_429 = arith.minimumf %get3A_423, %add3A_96 : vector<16xf32>
          %sub3A_430 = arith.subf %min3A_428, %max3A_426 : vector<16xf32>
          %max3A_431 = arith.constant 0.000000e+00 : f32
          %max3A_432 = vector.broadcast %max3A_431 : f32 to vector<16xf32>
          %max3A_433 = arith.maximumf %sub3A_430, %max3A_432 : vector<16xf32>
          %sub3A_434 = arith.subf %min3A_429, %max3A_427 : vector<16xf32>
          %max3A_435 = arith.constant 0.000000e+00 : f32
          %max3A_436 = vector.broadcast %max3A_435 : f32 to vector<16xf32>
          %max3A_437 = arith.maximumf %sub3A_434, %max3A_436 : vector<16xf32>
          %mul3A_438 = arith.mulf %max3A_433, %max3A_437 : vector<16xf32>
          %add3A_439 = arith.addf %get3A_425, %mul3A_97 : vector<16xf32>
          %sub3A_440 = arith.subf %add3A_439, %mul3A_438 : vector<16xf32>
          %max3A_441 = arith.constant 9.99999971E-10 : f32
          %max3A_442 = vector.broadcast %max3A_441 : f32 to vector<16xf32>
          %max3A_443 = arith.maximumf %sub3A_440, %max3A_442 : vector<16xf32>
          %div3A_444 = arith.divf %mul3A_438, %max3A_443 : vector<16xf32>
          %gt3A_445 = arith.constant 5.000000e-01 : f32
          %gt3A_446 = vector.broadcast %gt3A_445 : f32 to vector<16xf32>
          %gt3A_447 = arith.cmpf ogt, %div3A_444, %gt3A_446 : vector<16xf32>
          %jit3A_448 = arith.constant 1.000000e+00 : f32
          %jit3A_449 = arith.constant 0.000000e+00 : f32
          %broadcast_in_dim3A_450 = vector.broadcast %jit3A_448 : f32 to vector<16xf32>
          %broadcast_in_dim3A_451 = vector.broadcast %jit3A_449 : f32 to vector<16xf32>
          %select_n3A_452 = arith.select %gt3A_447, %broadcast_in_dim3A_450, %broadcast_in_dim3A_451 : vector<16xi1>, vector<16xf32>
          %max3A_453 = arith.maximumf %max3A_385, %select_n3A_452 : vector<16xf32>
          %max3A_454 = arith.maximumf %get3A_417, %sub3A_109 : vector<16xf32>
          %max3A_455 = arith.maximumf %get3A_419, %sub3A_113 : vector<16xf32>
          %min3A_456 = arith.minimumf %get3A_421, %add3A_117 : vector<16xf32>
          %min3A_457 = arith.minimumf %get3A_423, %add3A_121 : vector<16xf32>
          %sub3A_458 = arith.subf %min3A_456, %max3A_454 : vector<16xf32>
          %max3A_459 = arith.constant 0.000000e+00 : f32
          %max3A_460 = vector.broadcast %max3A_459 : f32 to vector<16xf32>
          %max3A_461 = arith.maximumf %sub3A_458, %max3A_460 : vector<16xf32>
          %sub3A_462 = arith.subf %min3A_457, %max3A_455 : vector<16xf32>
          %max3A_463 = arith.constant 0.000000e+00 : f32
          %max3A_464 = vector.broadcast %max3A_463 : f32 to vector<16xf32>
          %max3A_465 = arith.maximumf %sub3A_462, %max3A_464 : vector<16xf32>
          %mul3A_466 = arith.mulf %max3A_461, %max3A_465 : vector<16xf32>
          %add3A_467 = arith.addf %get3A_425, %mul3A_122 : vector<16xf32>
          %sub3A_468 = arith.subf %add3A_467, %mul3A_466 : vector<16xf32>
          %max3A_469 = arith.constant 9.99999971E-10 : f32
          %max3A_470 = vector.broadcast %max3A_469 : f32 to vector<16xf32>
          %max3A_471 = arith.maximumf %sub3A_468, %max3A_470 : vector<16xf32>
          %div3A_472 = arith.divf %mul3A_466, %max3A_471 : vector<16xf32>
          %gt3A_473 = arith.constant 5.000000e-01 : f32
          %gt3A_474 = vector.broadcast %gt3A_473 : f32 to vector<16xf32>
          %gt3A_475 = arith.cmpf ogt, %div3A_472, %gt3A_474 : vector<16xf32>
          %jit3A_476 = arith.constant 1.000000e+00 : f32
          %jit3A_477 = arith.constant 0.000000e+00 : f32
          %broadcast_in_dim3A_478 = vector.broadcast %jit3A_476 : f32 to vector<16xf32>
          %broadcast_in_dim3A_479 = vector.broadcast %jit3A_477 : f32 to vector<16xf32>
          %select_n3A_480 = arith.select %gt3A_475, %broadcast_in_dim3A_478, %broadcast_in_dim3A_479 : vector<16xi1>, vector<16xf32>
          %max3A_481 = arith.maximumf %max3A_413, %select_n3A_480 : vector<16xf32>
          scf.yield %max3A_453, %max3A_481 : vector<16xf32>, vector<16xf32>
        }
        %xor3A = arith.constant 1 : i32
        %xor3A_162 = vector.broadcast %xor3A : i32 to vector<16xi32>
        %xor3A_163 = arith.xori %iota3A, %xor3A_162 : vector<16xi32>
        %lt3A_164 = arith.constant 0 : i32
        %lt3A_165 = vector.broadcast %lt3A_164 : i32 to vector<16xi32>
        %lt3A_166 = arith.cmpi slt, %xor3A_163, %lt3A_165 : vector<16xi32>
        %add3A_167 = arith.constant 16 : i32
        %add3A_168 = vector.broadcast %add3A_167 : i32 to vector<16xi32>
        %add3A_169 = arith.addi %xor3A_163, %add3A_168 : vector<16xi32>
        %select_n3A_170 = arith.select %lt3A_166, %add3A_169, %xor3A_163 : vector<16xi1>, vector<16xi32>
        %broadcast_in_dim3A_171 = vector.shape_cast %select_n3A_170 : vector<16xi32> to vector<16x1xi32>
        %gather3A_172 = vector.shape_cast %broadcast_in_dim3A_171 : vector<16x1xi32> to vector<16xi32>
        %gather3A_173 = tpu.dynamic_gather %while3A_161#0[%gather3A_172] in [0] : vector<16xf32>, vector<16xi32> -> vector<16xf32>
        %max3A = arith.maximumf %while3A_161#0, %gather3A_173 : vector<16xf32>
        %xor3A_174 = arith.constant 2 : i32
        %xor3A_175 = vector.broadcast %xor3A_174 : i32 to vector<16xi32>
        %xor3A_176 = arith.xori %iota3A, %xor3A_175 : vector<16xi32>
        %lt3A_177 = arith.constant 0 : i32
        %lt3A_178 = vector.broadcast %lt3A_177 : i32 to vector<16xi32>
        %lt3A_179 = arith.cmpi slt, %xor3A_176, %lt3A_178 : vector<16xi32>
        %add3A_180 = arith.constant 16 : i32
        %add3A_181 = vector.broadcast %add3A_180 : i32 to vector<16xi32>
        %add3A_182 = arith.addi %xor3A_176, %add3A_181 : vector<16xi32>
        %select_n3A_183 = arith.select %lt3A_179, %add3A_182, %xor3A_176 : vector<16xi1>, vector<16xi32>
        %broadcast_in_dim3A_184 = vector.shape_cast %select_n3A_183 : vector<16xi32> to vector<16x1xi32>
        %gather3A_185 = vector.shape_cast %broadcast_in_dim3A_184 : vector<16x1xi32> to vector<16xi32>
        %gather3A_186 = tpu.dynamic_gather %max3A[%gather3A_185] in [0] : vector<16xf32>, vector<16xi32> -> vector<16xf32>
        %max3A_187 = arith.maximumf %max3A, %gather3A_186 : vector<16xf32>
        %xor3A_188 = arith.constant 4 : i32
        %xor3A_189 = vector.broadcast %xor3A_188 : i32 to vector<16xi32>
        %xor3A_190 = arith.xori %iota3A, %xor3A_189 : vector<16xi32>
        %lt3A_191 = arith.constant 0 : i32
        %lt3A_192 = vector.broadcast %lt3A_191 : i32 to vector<16xi32>
        %lt3A_193 = arith.cmpi slt, %xor3A_190, %lt3A_192 : vector<16xi32>
        %add3A_194 = arith.constant 16 : i32
        %add3A_195 = vector.broadcast %add3A_194 : i32 to vector<16xi32>
        %add3A_196 = arith.addi %xor3A_190, %add3A_195 : vector<16xi32>
        %select_n3A_197 = arith.select %lt3A_193, %add3A_196, %xor3A_190 : vector<16xi1>, vector<16xi32>
        %broadcast_in_dim3A_198 = vector.shape_cast %select_n3A_197 : vector<16xi32> to vector<16x1xi32>
        %gather3A_199 = vector.shape_cast %broadcast_in_dim3A_198 : vector<16x1xi32> to vector<16xi32>
        %gather3A_200 = tpu.dynamic_gather %max3A_187[%gather3A_199] in [0] : vector<16xf32>, vector<16xi32> -> vector<16xf32>
        %max3A_201 = arith.maximumf %max3A_187, %gather3A_200 : vector<16xf32>
        %xor3A_202 = arith.constant 8 : i32
        %xor3A_203 = vector.broadcast %xor3A_202 : i32 to vector<16xi32>
        %xor3A_204 = arith.xori %iota3A, %xor3A_203 : vector<16xi32>
        %lt3A_205 = arith.constant 0 : i32
        %lt3A_206 = vector.broadcast %lt3A_205 : i32 to vector<16xi32>
        %lt3A_207 = arith.cmpi slt, %xor3A_204, %lt3A_206 : vector<16xi32>
        %add3A_208 = arith.constant 16 : i32
        %add3A_209 = vector.broadcast %add3A_208 : i32 to vector<16xi32>
        %add3A_210 = arith.addi %xor3A_204, %add3A_209 : vector<16xi32>
        %select_n3A_211 = arith.select %lt3A_207, %add3A_210, %xor3A_204 : vector<16xi1>, vector<16xi32>
        %broadcast_in_dim3A_212 = vector.shape_cast %select_n3A_211 : vector<16xi32> to vector<16x1xi32>
        %gather3A_213 = vector.shape_cast %broadcast_in_dim3A_212 : vector<16x1xi32> to vector<16xi32>
        %gather3A_214 = tpu.dynamic_gather %max3A_201[%gather3A_213] in [0] : vector<16xf32>, vector<16xi32> -> vector<16xf32>
        %max3A_215 = arith.maximumf %max3A_201, %gather3A_214 : vector<16xf32>
        %slice3A_216 = vector.extract_strided_slice %max3A_215 {offsets = [0], sizes = [1], strides = [1]} : vector<16xf32> to vector<1xf32>
        %squeeze3A_217 = vector.extract %slice3A_216[0] : f32 from vector<1xf32>
        %gt3A = arith.constant 5.000000e-01 : f32
        %gt3A_218 = arith.cmpf ogt, %squeeze3A_217, %gt3A : f32
        %not3A = arith.constant true
        %not3A_219 = arith.xori %gt3A_218, %not3A : i1
        %max3A_220 = arith.maximumf %sub3A_84, %sub3A_109 : vector<16xf32>
        %max3A_221 = arith.maximumf %sub3A_88, %sub3A_113 : vector<16xf32>
        %min3A = arith.minimumf %add3A_92, %add3A_117 : vector<16xf32>
        %min3A_222 = arith.minimumf %add3A_96, %add3A_121 : vector<16xf32>
        %sub3A_223 = arith.subf %min3A, %max3A_220 : vector<16xf32>
        %max3A_224 = arith.constant 0.000000e+00 : f32
        %max3A_225 = vector.broadcast %max3A_224 : f32 to vector<16xf32>
        %max3A_226 = arith.maximumf %sub3A_223, %max3A_225 : vector<16xf32>
        %sub3A_227 = arith.subf %min3A_222, %max3A_221 : vector<16xf32>
        %max3A_228 = arith.constant 0.000000e+00 : f32
        %max3A_229 = vector.broadcast %max3A_228 : f32 to vector<16xf32>
        %max3A_230 = arith.maximumf %sub3A_227, %max3A_229 : vector<16xf32>
        %mul3A_231 = arith.mulf %max3A_226, %max3A_230 : vector<16xf32>
        %add3A_232 = arith.addf %mul3A_97, %mul3A_122 : vector<16xf32>
        %sub3A_233 = arith.subf %add3A_232, %mul3A_231 : vector<16xf32>
        %max3A_234 = arith.constant 9.99999971E-10 : f32
        %max3A_235 = vector.broadcast %max3A_234 : f32 to vector<16xf32>
        %max3A_236 = arith.maximumf %sub3A_233, %max3A_235 : vector<16xf32>
        %div3A_237 = arith.divf %mul3A_231, %max3A_236 : vector<16xf32>
        %gt3A_238 = arith.constant 5.000000e-01 : f32
        %gt3A_239 = vector.broadcast %gt3A_238 : f32 to vector<16xf32>
        %gt3A_240 = arith.cmpf ogt, %div3A_237, %gt3A_239 : vector<16xf32>
        %jit3A_241 = arith.constant 1.000000e+00 : f32
        %jit3A_242 = arith.constant 0.000000e+00 : f32
        %broadcast_in_dim3A_243 = vector.broadcast %jit3A_241 : f32 to vector<16xf32>
        %broadcast_in_dim3A_244 = vector.broadcast %jit3A_242 : f32 to vector<16xf32>
        %select_n3A_245 = arith.select %gt3A_240, %broadcast_in_dim3A_243, %broadcast_in_dim3A_244 : vector<16xi1>, vector<16xf32>
        %slice3A_246 = vector.extract_strided_slice %select_n3A_245 {offsets = [0], sizes = [1], strides = [1]} : vector<16xf32> to vector<1xf32>
        %squeeze3A_247 = vector.extract %slice3A_246[0] : f32 from vector<1xf32>
        %gt3A_248 = arith.constant 5.000000e-01 : f32
        %gt3A_249 = arith.cmpf ogt, %squeeze3A_247, %gt3A_248 : f32
        %mul3A_250 = arith.constant 2 : i32
        %mul3A_251 = arith.muli %mul3A_250, %while3A_66 : i32
        %add3A_252 = arith.constant 1 : i32
        %add3A_253 = arith.addi %mul3A_251, %add3A_252 : i32
        %lt3A_254 = arith.cmpi slt, %add3A_253, %convert_element_type3A_9 : i32
        %xor3A_255 = arith.constant 1 : i32
        %xor3A_256 = vector.broadcast %xor3A_255 : i32 to vector<16xi32>
        %xor3A_257 = arith.xori %iota3A, %xor3A_256 : vector<16xi32>
        %lt3A_258 = arith.constant 0 : i32
        %lt3A_259 = vector.broadcast %lt3A_258 : i32 to vector<16xi32>
        %lt3A_260 = arith.cmpi slt, %xor3A_257, %lt3A_259 : vector<16xi32>
        %add3A_261 = arith.constant 16 : i32
        %add3A_262 = vector.broadcast %add3A_261 : i32 to vector<16xi32>
        %add3A_263 = arith.addi %xor3A_257, %add3A_262 : vector<16xi32>
        %select_n3A_264 = arith.select %lt3A_260, %add3A_263, %xor3A_257 : vector<16xi1>, vector<16xi32>
        %broadcast_in_dim3A_265 = vector.shape_cast %select_n3A_264 : vector<16xi32> to vector<16x1xi32>
        %gather3A_266 = vector.shape_cast %broadcast_in_dim3A_265 : vector<16x1xi32> to vector<16xi32>
        %gather3A_267 = tpu.dynamic_gather %while3A_161#1[%gather3A_266] in [0] : vector<16xf32>, vector<16xi32> -> vector<16xf32>
        %max3A_268 = arith.maximumf %while3A_161#1, %gather3A_267 : vector<16xf32>
        %xor3A_269 = arith.constant 2 : i32
        %xor3A_270 = vector.broadcast %xor3A_269 : i32 to vector<16xi32>
        %xor3A_271 = arith.xori %iota3A, %xor3A_270 : vector<16xi32>
        %lt3A_272 = arith.constant 0 : i32
        %lt3A_273 = vector.broadcast %lt3A_272 : i32 to vector<16xi32>
        %lt3A_274 = arith.cmpi slt, %xor3A_271, %lt3A_273 : vector<16xi32>
        %add3A_275 = arith.constant 16 : i32
        %add3A_276 = vector.broadcast %add3A_275 : i32 to vector<16xi32>
        %add3A_277 = arith.addi %xor3A_271, %add3A_276 : vector<16xi32>
        %select_n3A_278 = arith.select %lt3A_274, %add3A_277, %xor3A_271 : vector<16xi1>, vector<16xi32>
        %broadcast_in_dim3A_279 = vector.shape_cast %select_n3A_278 : vector<16xi32> to vector<16x1xi32>
        %gather3A_280 = vector.shape_cast %broadcast_in_dim3A_279 : vector<16x1xi32> to vector<16xi32>
        %gather3A_281 = tpu.dynamic_gather %max3A_268[%gather3A_280] in [0] : vector<16xf32>, vector<16xi32> -> vector<16xf32>
        %max3A_282 = arith.maximumf %max3A_268, %gather3A_281 : vector<16xf32>
        %xor3A_283 = arith.constant 4 : i32
        %xor3A_284 = vector.broadcast %xor3A_283 : i32 to vector<16xi32>
        %xor3A_285 = arith.xori %iota3A, %xor3A_284 : vector<16xi32>
        %lt3A_286 = arith.constant 0 : i32
        %lt3A_287 = vector.broadcast %lt3A_286 : i32 to vector<16xi32>
        %lt3A_288 = arith.cmpi slt, %xor3A_285, %lt3A_287 : vector<16xi32>
        %add3A_289 = arith.constant 16 : i32
        %add3A_290 = vector.broadcast %add3A_289 : i32 to vector<16xi32>
        %add3A_291 = arith.addi %xor3A_285, %add3A_290 : vector<16xi32>
        %select_n3A_292 = arith.select %lt3A_288, %add3A_291, %xor3A_285 : vector<16xi1>, vector<16xi32>
        %broadcast_in_dim3A_293 = vector.shape_cast %select_n3A_292 : vector<16xi32> to vector<16x1xi32>
        %gather3A_294 = vector.shape_cast %broadcast_in_dim3A_293 : vector<16x1xi32> to vector<16xi32>
        %gather3A_295 = tpu.dynamic_gather %max3A_282[%gather3A_294] in [0] : vector<16xf32>, vector<16xi32> -> vector<16xf32>
        %max3A_296 = arith.maximumf %max3A_282, %gather3A_295 : vector<16xf32>
        %xor3A_297 = arith.constant 8 : i32
        %xor3A_298 = vector.broadcast %xor3A_297 : i32 to vector<16xi32>
        %xor3A_299 = arith.xori %iota3A, %xor3A_298 : vector<16xi32>
        %lt3A_300 = arith.constant 0 : i32
        %lt3A_301 = vector.broadcast %lt3A_300 : i32 to vector<16xi32>
        %lt3A_302 = arith.cmpi slt, %xor3A_299, %lt3A_301 : vector<16xi32>
        %add3A_303 = arith.constant 16 : i32
        %add3A_304 = vector.broadcast %add3A_303 : i32 to vector<16xi32>
        %add3A_305 = arith.addi %xor3A_299, %add3A_304 : vector<16xi32>
        %select_n3A_306 = arith.select %lt3A_302, %add3A_305, %xor3A_299 : vector<16xi1>, vector<16xi32>
        %broadcast_in_dim3A_307 = vector.shape_cast %select_n3A_306 : vector<16xi32> to vector<16x1xi32>
        %gather3A_308 = vector.shape_cast %broadcast_in_dim3A_307 : vector<16x1xi32> to vector<16xi32>
        %gather3A_309 = tpu.dynamic_gather %max3A_296[%gather3A_308] in [0] : vector<16xf32>, vector<16xi32> -> vector<16xf32>
        %max3A_310 = arith.maximumf %max3A_296, %gather3A_309 : vector<16xf32>
        %slice3A_311 = vector.extract_strided_slice %max3A_310 {offsets = [0], sizes = [1], strides = [1]} : vector<16xf32> to vector<1xf32>
        %squeeze3A_312 = vector.extract %slice3A_311[0] : f32 from vector<1xf32>
        %gt3A_313 = arith.constant 5.000000e-01 : f32
        %gt3A_314 = arith.cmpf ogt, %squeeze3A_312, %gt3A_313 : f32
        %and3A_315 = arith.andi %not3A_219, %gt3A_249 : i1
        %or3A = arith.ori %gt3A_314, %and3A_315 : i1
        %not3A_316 = arith.constant true
        %not3A_317 = arith.xori %or3A, %not3A_316 : i1
        %and3A_318 = arith.andi %not3A_317, %lt3A_254 : i1
        %jit3A_319 = arith.constant 0.000000e+00 : f32
        %jit3A_320 = arith.constant 1.000000e+00 : f32
        %select_n3A_321 = arith.select %gt3A_218, %jit3A_319, %jit3A_320 : f32
        %broadcast_in_dim3A_322 = vector.broadcast %select_n3A_321 : f32 to vector<16xf32>
        tpu.vector_store_idx %arg20[%broadcast_in_dim3A_70], %broadcast_in_dim3A_322 masked %eq3A_29 : memref<5008xf32, #tpu.memory_space<vmem>>[vector<16xi32>], vector<16xf32>, vector<16xi1>
        %jit3A_323 = arith.constant 0.000000e+00 : f32
        %jit3A_324 = arith.constant 1.000000e+00 : f32
        %select_n3A_325 = arith.select %or3A, %jit3A_323, %jit3A_324 : f32
        %broadcast_in_dim3A_326 = vector.broadcast %select_n3A_325 : f32 to vector<16xf32>
        %and3A_327 = vector.broadcast %lt3A_254 : i1 to vector<16xi1>
        %and3A_328 = arith.andi %eq3A_29, %and3A_327 : vector<16xi1>
        tpu.vector_store_idx %arg20[%add3A_73], %broadcast_in_dim3A_326 masked %and3A_328 : memref<5008xf32, #tpu.memory_space<vmem>>[vector<16xi32>], vector<16xf32>, vector<16xi1>
        %jit3A_329 = arith.constant 1 : i32
        %jit3A_330 = arith.constant 0 : i32
        %select_n3A_331 = arith.select %not3A_219, %jit3A_329, %jit3A_330 : i32
        %and3A_332 = vector.broadcast %not3A_219 : i1 to vector<16xi1>
        %and3A_333 = arith.andi %eq3A_29, %and3A_332 : vector<16xi1>
        %and3A_334 = vector.broadcast %and3A_318 : i1 to vector<16xi1>
        %and3A_335 = arith.andi %eq3A_29, %and3A_334 : vector<16xi1>
        %broadcast_in_dim3A_336 = vector.broadcast %while3A_67 : i32 to vector<16xi32>
        %add3A_337 = vector.broadcast %select_n3A_331 : i32 to vector<16xi32>
        %add3A_338 = arith.addi %broadcast_in_dim3A_336, %add3A_337 : vector<16xi32>
        tpu.vector_store_idx %arg15[%broadcast_in_dim3A_336], %sub3A_84 masked %and3A_333 : memref<5024xf32, #tpu.memory_space<vmem>>[vector<16xi32>], vector<16xf32>, vector<16xi1>
        tpu.vector_store_idx %arg16[%broadcast_in_dim3A_336], %sub3A_88 masked %and3A_333 : memref<5024xf32, #tpu.memory_space<vmem>>[vector<16xi32>], vector<16xf32>, vector<16xi1>
        tpu.vector_store_idx %arg17[%broadcast_in_dim3A_336], %add3A_92 masked %and3A_333 : memref<5024xf32, #tpu.memory_space<vmem>>[vector<16xi32>], vector<16xf32>, vector<16xi1>
        tpu.vector_store_idx %arg18[%broadcast_in_dim3A_336], %add3A_96 masked %and3A_333 : memref<5024xf32, #tpu.memory_space<vmem>>[vector<16xi32>], vector<16xf32>, vector<16xi1>
        tpu.vector_store_idx %arg19[%broadcast_in_dim3A_336], %mul3A_97 masked %and3A_333 : memref<5024xf32, #tpu.memory_space<vmem>>[vector<16xi32>], vector<16xf32>, vector<16xi1>
        tpu.vector_store_idx %arg15[%add3A_338], %sub3A_109 masked %and3A_335 : memref<5024xf32, #tpu.memory_space<vmem>>[vector<16xi32>], vector<16xf32>, vector<16xi1>
        tpu.vector_store_idx %arg16[%add3A_338], %sub3A_113 masked %and3A_335 : memref<5024xf32, #tpu.memory_space<vmem>>[vector<16xi32>], vector<16xf32>, vector<16xi1>
        tpu.vector_store_idx %arg17[%add3A_338], %add3A_117 masked %and3A_335 : memref<5024xf32, #tpu.memory_space<vmem>>[vector<16xi32>], vector<16xf32>, vector<16xi1>
        tpu.vector_store_idx %arg18[%add3A_338], %add3A_121 masked %and3A_335 : memref<5024xf32, #tpu.memory_space<vmem>>[vector<16xi32>], vector<16xf32>, vector<16xi1>
        tpu.vector_store_idx %arg19[%add3A_338], %mul3A_122 masked %and3A_335 : memref<5024xf32, #tpu.memory_space<vmem>>[vector<16xi32>], vector<16xf32>, vector<16xi1>
        %add3A_339 = arith.addi %while3A_67, %select_n3A_331 : i32
        %jit3A_340 = arith.constant 1 : i32
        %jit3A_341 = arith.constant 0 : i32
        %select_n3A_342 = arith.select %and3A_318, %jit3A_340, %jit3A_341 : i32
        %add3A_343 = arith.addi %add3A_339, %select_n3A_342 : i32
        scf.yield %add3A_343 : i32
      }
      %while3A_58 = arith.constant 1 : i32
      %while3A_59 = scf.for %while3A_66 = %while3A_55 to %while3A_51 step %while3A_58 iter_args(%while3A_67 = %while3A_57) -> (i32)  : i32 {
        %mul3A = arith.constant 2 : i32
        %mul3A_68 = arith.muli %mul3A, %while3A_66 : i32
        %add3A_69 = arith.addi %convert_element_type3A_3, %mul3A_68 : i32
        %broadcast_in_dim3A_70 = vector.broadcast %add3A_69 : i32 to vector<16xi32>
        %add3A_71 = arith.constant 1 : i32
        %add3A_72 = vector.broadcast %add3A_71 : i32 to vector<16xi32>
        %add3A_73 = arith.addi %broadcast_in_dim3A_70, %add3A_72 : vector<16xi32>
        %gather3A_74 = tpu.vector_load_idx %arg13[%broadcast_in_dim3A_70] : memref<5008xf32, #tpu.memory_space<vmem>>[vector<16xi32>], vector<16xf32>,
        %convert_element_type3A_75 = arith.fptosi %gather3A_74 : vector<16xf32> to vector<16xi32>
        %gather3A_76 = tpu.vector_load_idx %arg9[%convert_element_type3A_75] : memref<5008xf32, #tpu.memory_space<vmem>>[vector<16xi32>], vector<16xf32>,
        %gather3A_77 = tpu.vector_load_idx %arg10[%convert_element_type3A_75] : memref<5008xf32, #tpu.memory_space<vmem>>[vector<16xi32>], vector<16xf32>,
        %gather3A_78 = tpu.vector_load_idx %arg11[%convert_element_type3A_75] : memref<5008xf32, #tpu.memory_space<vmem>>[vector<16xi32>], vector<16xf32>,
        %abs3A = math.absf %gather3A_78 : vector<16xf32>
        %gather3A_79 = tpu.vector_load_idx %arg12[%convert_element_type3A_75] : memref<5008xf32, #tpu.memory_space<vmem>>[vector<16xi32>], vector<16xf32>,
        %abs3A_80 = math.absf %gather3A_79 : vector<16xf32>
        %mul3A_81 = arith.constant 5.000000e-01 : f32
        %mul3A_82 = vector.broadcast %mul3A_81 : f32 to vector<16xf32>
        %mul3A_83 = arith.mulf %mul3A_82, %abs3A : vector<16xf32>
        %sub3A_84 = arith.subf %gather3A_76, %mul3A_83 : vector<16xf32>
        %mul3A_85 = arith.constant 5.000000e-01 : f32
        %mul3A_86 = vector.broadcast %mul3A_85 : f32 to vector<16xf32>
        %mul3A_87 = arith.mulf %mul3A_86, %abs3A_80 : vector<16xf32>
        %sub3A_88 = arith.subf %gather3A_77, %mul3A_87 : vector<16xf32>
        %mul3A_89 = arith.constant 5.000000e-01 : f32
        %mul3A_90 = vector.broadcast %mul3A_89 : f32 to vector<16xf32>
        %mul3A_91 = arith.mulf %mul3A_90, %abs3A : vector<16xf32>
        %add3A_92 = arith.addf %gather3A_76, %mul3A_91 : vector<16xf32>
        %mul3A_93 = arith.constant 5.000000e-01 : f32
        %mul3A_94 = vector.broadcast %mul3A_93 : f32 to vector<16xf32>
        %mul3A_95 = arith.mulf %mul3A_94, %abs3A_80 : vector<16xf32>
        %add3A_96 = arith.addf %gather3A_77, %mul3A_95 : vector<16xf32>
        %mul3A_97 = arith.mulf %abs3A, %abs3A_80 : vector<16xf32>
        %gather3A_98 = tpu.vector_load_idx %arg13[%add3A_73] : memref<5008xf32, #tpu.memory_space<vmem>>[vector<16xi32>], vector<16xf32>,
        %convert_element_type3A_99 = arith.fptosi %gather3A_98 : vector<16xf32> to vector<16xi32>
        %gather3A_100 = tpu.vector_load_idx %arg9[%convert_element_type3A_99] : memref<5008xf32, #tpu.memory_space<vmem>>[vector<16xi32>], vector<16xf32>,
        %gather3A_101 = tpu.vector_load_idx %arg10[%convert_element_type3A_99] : memref<5008xf32, #tpu.memory_space<vmem>>[vector<16xi32>], vector<16xf32>,
        %gather3A_102 = tpu.vector_load_idx %arg11[%convert_element_type3A_99] : memref<5008xf32, #tpu.memory_space<vmem>>[vector<16xi32>], vector<16xf32>,
        %abs3A_103 = math.absf %gather3A_102 : vector<16xf32>
        %gather3A_104 = tpu.vector_load_idx %arg12[%convert_element_type3A_99] : memref<5008xf32, #tpu.memory_space<vmem>>[vector<16xi32>], vector<16xf32>,
        %abs3A_105 = math.absf %gather3A_104 : vector<16xf32>
        %mul3A_106 = arith.constant 5.000000e-01 : f32
        %mul3A_107 = vector.broadcast %mul3A_106 : f32 to vector<16xf32>
        %mul3A_108 = arith.mulf %mul3A_107, %abs3A_103 : vector<16xf32>
        %sub3A_109 = arith.subf %gather3A_100, %mul3A_108 : vector<16xf32>
        %mul3A_110 = arith.constant 5.000000e-01 : f32
        %mul3A_111 = vector.broadcast %mul3A_110 : f32 to vector<16xf32>
        %mul3A_112 = arith.mulf %mul3A_111, %abs3A_105 : vector<16xf32>
        %sub3A_113 = arith.subf %gather3A_101, %mul3A_112 : vector<16xf32>
        %mul3A_114 = arith.constant 5.000000e-01 : f32
        %mul3A_115 = vector.broadcast %mul3A_114 : f32 to vector<16xf32>
        %mul3A_116 = arith.mulf %mul3A_115, %abs3A_103 : vector<16xf32>
        %add3A_117 = arith.addf %gather3A_100, %mul3A_116 : vector<16xf32>
        %mul3A_118 = arith.constant 5.000000e-01 : f32
        %mul3A_119 = vector.broadcast %mul3A_118 : f32 to vector<16xf32>
        %mul3A_120 = arith.mulf %mul3A_119, %abs3A_105 : vector<16xf32>
        %add3A_121 = arith.addf %gather3A_101, %mul3A_120 : vector<16xf32>
        %mul3A_122 = arith.mulf %abs3A_103, %abs3A_105 : vector<16xf32>
        %add3A_123 = arith.constant 31 : i32
        %add3A_124 = arith.addi %while3A_67, %add3A_123 : i32
        %jit3A_125 = arith.constant 32 : i32
        %div3A_126 = arith.divsi %add3A_124, %jit3A_125 : i32
        %sign3A_127 = arith.constant 0 : i32
        %sign3A_128 = arith.cmpi sgt, %add3A_124, %sign3A_127 : i32
        %sign3A_129 = arith.extui %sign3A_128 : i1 to i32
        %sign3A_130 = arith.constant 0 : i32
        %sign3A_131 = arith.cmpi slt, %add3A_124, %sign3A_130 : i32
        %sign3A_132 = arith.extui %sign3A_131 : i1 to i32
        %sign3A_133 = arith.subi %sign3A_129, %sign3A_132 : i32
        %sign3A_134 = arith.constant 0 : i32
        %sign3A_135 = arith.cmpi sgt, %jit3A_125, %sign3A_134 : i32
        %sign3A_136 = arith.extui %sign3A_135 : i1 to i32
        %sign3A_137 = arith.constant 0 : i32
        %sign3A_138 = arith.cmpi slt, %jit3A_125, %sign3A_137 : i32
        %sign3A_139 = arith.extui %sign3A_138 : i1 to i32
        %sign3A_140 = arith.subi %sign3A_136, %sign3A_139 : i32
        %ne3A_141 = arith.cmpi ne, %sign3A_133, %sign3A_140 : i32
        %rem3A_142 = arith.remsi %add3A_124, %jit3A_125 : i32
        %ne3A_143 = arith.constant 0 : i32
        %ne3A_144 = arith.cmpi ne, %rem3A_142, %ne3A_143 : i32
        %and3A_145 = arith.andi %ne3A_141, %ne3A_144 : i1
        %sub3A_146 = arith.constant 1 : i32
        %sub3A_147 = arith.subi %div3A_126, %sub3A_146 : i32
        %select_n3A_148 = arith.select %and3A_145, %sub3A_147, %div3A_126 : i32
        %broadcast_in_dim3A_149 = arith.constant 0.000000e+00 : f32
        %broadcast_in_dim3A_150 = vector.broadcast %broadcast_in_dim3A_149 : f32 to vector<16xf32>
        %while3A_151 = arith.constant 0 : i32
        %while3A_152 = arith.subi %select_n3A_148, %while3A_151 : i32
        %while3A_153 = arith.addi %while3A_151, %while3A_152 : i32
        %while3A_154 = arith.constant 1 : i32
        %while3A_155 = arith.divsi %while3A_152, %while3A_154 : i32
        %while3A_156 = arith.muli %while3A_155, %while3A_154 : i32
        %while3A_157 = arith.addi %while3A_151, %while3A_156 : i32
        %while3A_158 = arith.constant 1 : i32
        %while3A_159:2 = scf.for %while3A_344 = %while3A_151 to %while3A_157 step %while3A_158 iter_args(%while3A_345 = %broadcast_in_dim3A_150, %while3A_346 = %broadcast_in_dim3A_150) -> (vector<16xf32>, vector<16xf32>)  : i32 {
          %mul3A_347 = arith.constant 32 : i32
          %mul3A_348 = arith.muli %while3A_344, %mul3A_347 : i32
          %get3A = arith.index_cast %mul3A_348 : i32 to index
          %get3A_349 = tpu.vector_load %arg15[%get3A] {strides = array<i32>} : memref<5024xf32, #tpu.memory_space<vmem>>, vector<16xf32>,
          %get3A_350 = arith.index_cast %mul3A_348 : i32 to index
          %get3A_351 = tpu.vector_load %arg16[%get3A_350] {strides = array<i32>} : memref<5024xf32, #tpu.memory_space<vmem>>, vector<16xf32>,
          %get3A_352 = arith.index_cast %mul3A_348 : i32 to index
          %get3A_353 = tpu.vector_load %arg17[%get3A_352] {strides = array<i32>} : memref<5024xf32, #tpu.memory_space<vmem>>, vector<16xf32>,
          %get3A_354 = arith.index_cast %mul3A_348 : i32 to index
          %get3A_355 = tpu.vector_load %arg18[%get3A_354] {strides = array<i32>} : memref<5024xf32, #tpu.memory_space<vmem>>, vector<16xf32>,
          %get3A_356 = arith.index_cast %mul3A_348 : i32 to index
          %get3A_357 = tpu.vector_load %arg19[%get3A_356] {strides = array<i32>} : memref<5024xf32, #tpu.memory_space<vmem>>, vector<16xf32>,
          %max3A_358 = arith.maximumf %get3A_349, %sub3A_84 : vector<16xf32>
          %max3A_359 = arith.maximumf %get3A_351, %sub3A_88 : vector<16xf32>
          %min3A_360 = arith.minimumf %get3A_353, %add3A_92 : vector<16xf32>
          %min3A_361 = arith.minimumf %get3A_355, %add3A_96 : vector<16xf32>
          %sub3A_362 = arith.subf %min3A_360, %max3A_358 : vector<16xf32>
          %max3A_363 = arith.constant 0.000000e+00 : f32
          %max3A_364 = vector.broadcast %max3A_363 : f32 to vector<16xf32>
          %max3A_365 = arith.maximumf %sub3A_362, %max3A_364 : vector<16xf32>
          %sub3A_366 = arith.subf %min3A_361, %max3A_359 : vector<16xf32>
          %max3A_367 = arith.constant 0.000000e+00 : f32
          %max3A_368 = vector.broadcast %max3A_367 : f32 to vector<16xf32>
          %max3A_369 = arith.maximumf %sub3A_366, %max3A_368 : vector<16xf32>
          %mul3A_370 = arith.mulf %max3A_365, %max3A_369 : vector<16xf32>
          %add3A_371 = arith.addf %get3A_357, %mul3A_97 : vector<16xf32>
          %sub3A_372 = arith.subf %add3A_371, %mul3A_370 : vector<16xf32>
          %max3A_373 = arith.constant 9.99999971E-10 : f32
          %max3A_374 = vector.broadcast %max3A_373 : f32 to vector<16xf32>
          %max3A_375 = arith.maximumf %sub3A_372, %max3A_374 : vector<16xf32>
          %div3A_376 = arith.divf %mul3A_370, %max3A_375 : vector<16xf32>
          %gt3A_377 = arith.constant 5.000000e-01 : f32
          %gt3A_378 = vector.broadcast %gt3A_377 : f32 to vector<16xf32>
          %gt3A_379 = arith.cmpf ogt, %div3A_376, %gt3A_378 : vector<16xf32>
          %jit3A_380 = arith.constant 1.000000e+00 : f32
          %jit3A_381 = arith.constant 0.000000e+00 : f32
          %broadcast_in_dim3A_382 = vector.broadcast %jit3A_380 : f32 to vector<16xf32>
          %broadcast_in_dim3A_383 = vector.broadcast %jit3A_381 : f32 to vector<16xf32>
          %select_n3A_384 = arith.select %gt3A_379, %broadcast_in_dim3A_382, %broadcast_in_dim3A_383 : vector<16xi1>, vector<16xf32>
          %max3A_385 = arith.maximumf %while3A_345, %select_n3A_384 : vector<16xf32>
          %max3A_386 = arith.maximumf %get3A_349, %sub3A_109 : vector<16xf32>
          %max3A_387 = arith.maximumf %get3A_351, %sub3A_113 : vector<16xf32>
          %min3A_388 = arith.minimumf %get3A_353, %add3A_117 : vector<16xf32>
          %min3A_389 = arith.minimumf %get3A_355, %add3A_121 : vector<16xf32>
          %sub3A_390 = arith.subf %min3A_388, %max3A_386 : vector<16xf32>
          %max3A_391 = arith.constant 0.000000e+00 : f32
          %max3A_392 = vector.broadcast %max3A_391 : f32 to vector<16xf32>
          %max3A_393 = arith.maximumf %sub3A_390, %max3A_392 : vector<16xf32>
          %sub3A_394 = arith.subf %min3A_389, %max3A_387 : vector<16xf32>
          %max3A_395 = arith.constant 0.000000e+00 : f32
          %max3A_396 = vector.broadcast %max3A_395 : f32 to vector<16xf32>
          %max3A_397 = arith.maximumf %sub3A_394, %max3A_396 : vector<16xf32>
          %mul3A_398 = arith.mulf %max3A_393, %max3A_397 : vector<16xf32>
          %add3A_399 = arith.addf %get3A_357, %mul3A_122 : vector<16xf32>
          %sub3A_400 = arith.subf %add3A_399, %mul3A_398 : vector<16xf32>
          %max3A_401 = arith.constant 9.99999971E-10 : f32
          %max3A_402 = vector.broadcast %max3A_401 : f32 to vector<16xf32>
          %max3A_403 = arith.maximumf %sub3A_400, %max3A_402 : vector<16xf32>
          %div3A_404 = arith.divf %mul3A_398, %max3A_403 : vector<16xf32>
          %gt3A_405 = arith.constant 5.000000e-01 : f32
          %gt3A_406 = vector.broadcast %gt3A_405 : f32 to vector<16xf32>
          %gt3A_407 = arith.cmpf ogt, %div3A_404, %gt3A_406 : vector<16xf32>
          %jit3A_408 = arith.constant 1.000000e+00 : f32
          %jit3A_409 = arith.constant 0.000000e+00 : f32
          %broadcast_in_dim3A_410 = vector.broadcast %jit3A_408 : f32 to vector<16xf32>
          %broadcast_in_dim3A_411 = vector.broadcast %jit3A_409 : f32 to vector<16xf32>
          %select_n3A_412 = arith.select %gt3A_407, %broadcast_in_dim3A_410, %broadcast_in_dim3A_411 : vector<16xi1>, vector<16xf32>
          %max3A_413 = arith.maximumf %while3A_346, %select_n3A_412 : vector<16xf32>
          %add3A_414 = arith.constant 16 : i32
          %add3A_415 = arith.addi %mul3A_348, %add3A_414 : i32
          %get3A_416 = arith.index_cast %add3A_415 : i32 to index
          %get3A_417 = tpu.vector_load %arg15[%get3A_416] {strides = array<i32>} : memref<5024xf32, #tpu.memory_space<vmem>>, vector<16xf32>,
          %get3A_418 = arith.index_cast %add3A_415 : i32 to index
          %get3A_419 = tpu.vector_load %arg16[%get3A_418] {strides = array<i32>} : memref<5024xf32, #tpu.memory_space<vmem>>, vector<16xf32>,
          %get3A_420 = arith.index_cast %add3A_415 : i32 to index
          %get3A_421 = tpu.vector_load %arg17[%get3A_420] {strides = array<i32>} : memref<5024xf32, #tpu.memory_space<vmem>>, vector<16xf32>,
          %get3A_422 = arith.index_cast %add3A_415 : i32 to index
          %get3A_423 = tpu.vector_load %arg18[%get3A_422] {strides = array<i32>} : memref<5024xf32, #tpu.memory_space<vmem>>, vector<16xf32>,
          %get3A_424 = arith.index_cast %add3A_415 : i32 to index
          %get3A_425 = tpu.vector_load %arg19[%get3A_424] {strides = array<i32>} : memref<5024xf32, #tpu.memory_space<vmem>>, vector<16xf32>,
          %max3A_426 = arith.maximumf %get3A_417, %sub3A_84 : vector<16xf32>
          %max3A_427 = arith.maximumf %get3A_419, %sub3A_88 : vector<16xf32>
          %min3A_428 = arith.minimumf %get3A_421, %add3A_92 : vector<16xf32>
          %min3A_429 = arith.minimumf %get3A_423, %add3A_96 : vector<16xf32>
          %sub3A_430 = arith.subf %min3A_428, %max3A_426 : vector<16xf32>
          %max3A_431 = arith.constant 0.000000e+00 : f32
          %max3A_432 = vector.broadcast %max3A_431 : f32 to vector<16xf32>
          %max3A_433 = arith.maximumf %sub3A_430, %max3A_432 : vector<16xf32>
          %sub3A_434 = arith.subf %min3A_429, %max3A_427 : vector<16xf32>
          %max3A_435 = arith.constant 0.000000e+00 : f32
          %max3A_436 = vector.broadcast %max3A_435 : f32 to vector<16xf32>
          %max3A_437 = arith.maximumf %sub3A_434, %max3A_436 : vector<16xf32>
          %mul3A_438 = arith.mulf %max3A_433, %max3A_437 : vector<16xf32>
          %add3A_439 = arith.addf %get3A_425, %mul3A_97 : vector<16xf32>
          %sub3A_440 = arith.subf %add3A_439, %mul3A_438 : vector<16xf32>
          %max3A_441 = arith.constant 9.99999971E-10 : f32
          %max3A_442 = vector.broadcast %max3A_441 : f32 to vector<16xf32>
          %max3A_443 = arith.maximumf %sub3A_440, %max3A_442 : vector<16xf32>
          %div3A_444 = arith.divf %mul3A_438, %max3A_443 : vector<16xf32>
          %gt3A_445 = arith.constant 5.000000e-01 : f32
          %gt3A_446 = vector.broadcast %gt3A_445 : f32 to vector<16xf32>
          %gt3A_447 = arith.cmpf ogt, %div3A_444, %gt3A_446 : vector<16xf32>
          %jit3A_448 = arith.constant 1.000000e+00 : f32
          %jit3A_449 = arith.constant 0.000000e+00 : f32
          %broadcast_in_dim3A_450 = vector.broadcast %jit3A_448 : f32 to vector<16xf32>
          %broadcast_in_dim3A_451 = vector.broadcast %jit3A_449 : f32 to vector<16xf32>
          %select_n3A_452 = arith.select %gt3A_447, %broadcast_in_dim3A_450, %broadcast_in_dim3A_451 : vector<16xi1>, vector<16xf32>
          %max3A_453 = arith.maximumf %max3A_385, %select_n3A_452 : vector<16xf32>
          %max3A_454 = arith.maximumf %get3A_417, %sub3A_109 : vector<16xf32>
          %max3A_455 = arith.maximumf %get3A_419, %sub3A_113 : vector<16xf32>
          %min3A_456 = arith.minimumf %get3A_421, %add3A_117 : vector<16xf32>
          %min3A_457 = arith.minimumf %get3A_423, %add3A_121 : vector<16xf32>
          %sub3A_458 = arith.subf %min3A_456, %max3A_454 : vector<16xf32>
          %max3A_459 = arith.constant 0.000000e+00 : f32
          %max3A_460 = vector.broadcast %max3A_459 : f32 to vector<16xf32>
          %max3A_461 = arith.maximumf %sub3A_458, %max3A_460 : vector<16xf32>
          %sub3A_462 = arith.subf %min3A_457, %max3A_455 : vector<16xf32>
          %max3A_463 = arith.constant 0.000000e+00 : f32
          %max3A_464 = vector.broadcast %max3A_463 : f32 to vector<16xf32>
          %max3A_465 = arith.maximumf %sub3A_462, %max3A_464 : vector<16xf32>
          %mul3A_466 = arith.mulf %max3A_461, %max3A_465 : vector<16xf32>
          %add3A_467 = arith.addf %get3A_425, %mul3A_122 : vector<16xf32>
          %sub3A_468 = arith.subf %add3A_467, %mul3A_466 : vector<16xf32>
          %max3A_469 = arith.constant 9.99999971E-10 : f32
          %max3A_470 = vector.broadcast %max3A_469 : f32 to vector<16xf32>
          %max3A_471 = arith.maximumf %sub3A_468, %max3A_470 : vector<16xf32>
          %div3A_472 = arith.divf %mul3A_466, %max3A_471 : vector<16xf32>
          %gt3A_473 = arith.constant 5.000000e-01 : f32
          %gt3A_474 = vector.broadcast %gt3A_473 : f32 to vector<16xf32>
          %gt3A_475 = arith.cmpf ogt, %div3A_472, %gt3A_474 : vector<16xf32>
          %jit3A_476 = arith.constant 1.000000e+00 : f32
          %jit3A_477 = arith.constant 0.000000e+00 : f32
          %broadcast_in_dim3A_478 = vector.broadcast %jit3A_476 : f32 to vector<16xf32>
          %broadcast_in_dim3A_479 = vector.broadcast %jit3A_477 : f32 to vector<16xf32>
          %select_n3A_480 = arith.select %gt3A_475, %broadcast_in_dim3A_478, %broadcast_in_dim3A_479 : vector<16xi1>, vector<16xf32>
          %max3A_481 = arith.maximumf %max3A_413, %select_n3A_480 : vector<16xf32>
          scf.yield %max3A_453, %max3A_481 : vector<16xf32>, vector<16xf32>
        }
        %while3A_160 = arith.constant 1 : i32
        %while3A_161:2 = scf.for %while3A_344 = %while3A_157 to %while3A_153 step %while3A_160 iter_args(%while3A_345 = %while3A_159#0, %while3A_346 = %while3A_159#1) -> (vector<16xf32>, vector<16xf32>)  : i32 {
          %mul3A_347 = arith.constant 32 : i32
          %mul3A_348 = arith.muli %while3A_344, %mul3A_347 : i32
          %get3A = arith.index_cast %mul3A_348 : i32 to index
          %get3A_349 = tpu.vector_load %arg15[%get3A] {strides = array<i32>} : memref<5024xf32, #tpu.memory_space<vmem>>, vector<16xf32>,
          %get3A_350 = arith.index_cast %mul3A_348 : i32 to index
          %get3A_351 = tpu.vector_load %arg16[%get3A_350] {strides = array<i32>} : memref<5024xf32, #tpu.memory_space<vmem>>, vector<16xf32>,
          %get3A_352 = arith.index_cast %mul3A_348 : i32 to index
          %get3A_353 = tpu.vector_load %arg17[%get3A_352] {strides = array<i32>} : memref<5024xf32, #tpu.memory_space<vmem>>, vector<16xf32>,
          %get3A_354 = arith.index_cast %mul3A_348 : i32 to index
          %get3A_355 = tpu.vector_load %arg18[%get3A_354] {strides = array<i32>} : memref<5024xf32, #tpu.memory_space<vmem>>, vector<16xf32>,
          %get3A_356 = arith.index_cast %mul3A_348 : i32 to index
          %get3A_357 = tpu.vector_load %arg19[%get3A_356] {strides = array<i32>} : memref<5024xf32, #tpu.memory_space<vmem>>, vector<16xf32>,
          %max3A_358 = arith.maximumf %get3A_349, %sub3A_84 : vector<16xf32>
          %max3A_359 = arith.maximumf %get3A_351, %sub3A_88 : vector<16xf32>
          %min3A_360 = arith.minimumf %get3A_353, %add3A_92 : vector<16xf32>
          %min3A_361 = arith.minimumf %get3A_355, %add3A_96 : vector<16xf32>
          %sub3A_362 = arith.subf %min3A_360, %max3A_358 : vector<16xf32>
          %max3A_363 = arith.constant 0.000000e+00 : f32
          %max3A_364 = vector.broadcast %max3A_363 : f32 to vector<16xf32>
          %max3A_365 = arith.maximumf %sub3A_362, %max3A_364 : vector<16xf32>
          %sub3A_366 = arith.subf %min3A_361, %max3A_359 : vector<16xf32>
          %max3A_367 = arith.constant 0.000000e+00 : f32
          %max3A_368 = vector.broadcast %max3A_367 : f32 to vector<16xf32>
          %max3A_369 = arith.maximumf %sub3A_366, %max3A_368 : vector<16xf32>
          %mul3A_370 = arith.mulf %max3A_365, %max3A_369 : vector<16xf32>
          %add3A_371 = arith.addf %get3A_357, %mul3A_97 : vector<16xf32>
          %sub3A_372 = arith.subf %add3A_371, %mul3A_370 : vector<16xf32>
          %max3A_373 = arith.constant 9.99999971E-10 : f32
          %max3A_374 = vector.broadcast %max3A_373 : f32 to vector<16xf32>
          %max3A_375 = arith.maximumf %sub3A_372, %max3A_374 : vector<16xf32>
          %div3A_376 = arith.divf %mul3A_370, %max3A_375 : vector<16xf32>
          %gt3A_377 = arith.constant 5.000000e-01 : f32
          %gt3A_378 = vector.broadcast %gt3A_377 : f32 to vector<16xf32>
          %gt3A_379 = arith.cmpf ogt, %div3A_376, %gt3A_378 : vector<16xf32>
          %jit3A_380 = arith.constant 1.000000e+00 : f32
          %jit3A_381 = arith.constant 0.000000e+00 : f32
          %broadcast_in_dim3A_382 = vector.broadcast %jit3A_380 : f32 to vector<16xf32>
          %broadcast_in_dim3A_383 = vector.broadcast %jit3A_381 : f32 to vector<16xf32>
          %select_n3A_384 = arith.select %gt3A_379, %broadcast_in_dim3A_382, %broadcast_in_dim3A_383 : vector<16xi1>, vector<16xf32>
          %max3A_385 = arith.maximumf %while3A_345, %select_n3A_384 : vector<16xf32>
          %max3A_386 = arith.maximumf %get3A_349, %sub3A_109 : vector<16xf32>
          %max3A_387 = arith.maximumf %get3A_351, %sub3A_113 : vector<16xf32>
          %min3A_388 = arith.minimumf %get3A_353, %add3A_117 : vector<16xf32>
          %min3A_389 = arith.minimumf %get3A_355, %add3A_121 : vector<16xf32>
          %sub3A_390 = arith.subf %min3A_388, %max3A_386 : vector<16xf32>
          %max3A_391 = arith.constant 0.000000e+00 : f32
          %max3A_392 = vector.broadcast %max3A_391 : f32 to vector<16xf32>
          %max3A_393 = arith.maximumf %sub3A_390, %max3A_392 : vector<16xf32>
          %sub3A_394 = arith.subf %min3A_389, %max3A_387 : vector<16xf32>
          %max3A_395 = arith.constant 0.000000e+00 : f32
          %max3A_396 = vector.broadcast %max3A_395 : f32 to vector<16xf32>
          %max3A_397 = arith.maximumf %sub3A_394, %max3A_396 : vector<16xf32>
          %mul3A_398 = arith.mulf %max3A_393, %max3A_397 : vector<16xf32>
          %add3A_399 = arith.addf %get3A_357, %mul3A_122 : vector<16xf32>
          %sub3A_400 = arith.subf %add3A_399, %mul3A_398 : vector<16xf32>
          %max3A_401 = arith.constant 9.99999971E-10 : f32
          %max3A_402 = vector.broadcast %max3A_401 : f32 to vector<16xf32>
          %max3A_403 = arith.maximumf %sub3A_400, %max3A_402 : vector<16xf32>
          %div3A_404 = arith.divf %mul3A_398, %max3A_403 : vector<16xf32>
          %gt3A_405 = arith.constant 5.000000e-01 : f32
          %gt3A_406 = vector.broadcast %gt3A_405 : f32 to vector<16xf32>
          %gt3A_407 = arith.cmpf ogt, %div3A_404, %gt3A_406 : vector<16xf32>
          %jit3A_408 = arith.constant 1.000000e+00 : f32
          %jit3A_409 = arith.constant 0.000000e+00 : f32
          %broadcast_in_dim3A_410 = vector.broadcast %jit3A_408 : f32 to vector<16xf32>
          %broadcast_in_dim3A_411 = vector.broadcast %jit3A_409 : f32 to vector<16xf32>
          %select_n3A_412 = arith.select %gt3A_407, %broadcast_in_dim3A_410, %broadcast_in_dim3A_411 : vector<16xi1>, vector<16xf32>
          %max3A_413 = arith.maximumf %while3A_346, %select_n3A_412 : vector<16xf32>
          %add3A_414 = arith.constant 16 : i32
          %add3A_415 = arith.addi %mul3A_348, %add3A_414 : i32
          %get3A_416 = arith.index_cast %add3A_415 : i32 to index
          %get3A_417 = tpu.vector_load %arg15[%get3A_416] {strides = array<i32>} : memref<5024xf32, #tpu.memory_space<vmem>>, vector<16xf32>,
          %get3A_418 = arith.index_cast %add3A_415 : i32 to index
          %get3A_419 = tpu.vector_load %arg16[%get3A_418] {strides = array<i32>} : memref<5024xf32, #tpu.memory_space<vmem>>, vector<16xf32>,
          %get3A_420 = arith.index_cast %add3A_415 : i32 to index
          %get3A_421 = tpu.vector_load %arg17[%get3A_420] {strides = array<i32>} : memref<5024xf32, #tpu.memory_space<vmem>>, vector<16xf32>,
          %get3A_422 = arith.index_cast %add3A_415 : i32 to index
          %get3A_423 = tpu.vector_load %arg18[%get3A_422] {strides = array<i32>} : memref<5024xf32, #tpu.memory_space<vmem>>, vector<16xf32>,
          %get3A_424 = arith.index_cast %add3A_415 : i32 to index
          %get3A_425 = tpu.vector_load %arg19[%get3A_424] {strides = array<i32>} : memref<5024xf32, #tpu.memory_space<vmem>>, vector<16xf32>,
          %max3A_426 = arith.maximumf %get3A_417, %sub3A_84 : vector<16xf32>
          %max3A_427 = arith.maximumf %get3A_419, %sub3A_88 : vector<16xf32>
          %min3A_428 = arith.minimumf %get3A_421, %add3A_92 : vector<16xf32>
          %min3A_429 = arith.minimumf %get3A_423, %add3A_96 : vector<16xf32>
          %sub3A_430 = arith.subf %min3A_428, %max3A_426 : vector<16xf32>
          %max3A_431 = arith.constant 0.000000e+00 : f32
          %max3A_432 = vector.broadcast %max3A_431 : f32 to vector<16xf32>
          %max3A_433 = arith.maximumf %sub3A_430, %max3A_432 : vector<16xf32>
          %sub3A_434 = arith.subf %min3A_429, %max3A_427 : vector<16xf32>
          %max3A_435 = arith.constant 0.000000e+00 : f32
          %max3A_436 = vector.broadcast %max3A_435 : f32 to vector<16xf32>
          %max3A_437 = arith.maximumf %sub3A_434, %max3A_436 : vector<16xf32>
          %mul3A_438 = arith.mulf %max3A_433, %max3A_437 : vector<16xf32>
          %add3A_439 = arith.addf %get3A_425, %mul3A_97 : vector<16xf32>
          %sub3A_440 = arith.subf %add3A_439, %mul3A_438 : vector<16xf32>
          %max3A_441 = arith.constant 9.99999971E-10 : f32
          %max3A_442 = vector.broadcast %max3A_441 : f32 to vector<16xf32>
          %max3A_443 = arith.maximumf %sub3A_440, %max3A_442 : vector<16xf32>
          %div3A_444 = arith.divf %mul3A_438, %max3A_443 : vector<16xf32>
          %gt3A_445 = arith.constant 5.000000e-01 : f32
          %gt3A_446 = vector.broadcast %gt3A_445 : f32 to vector<16xf32>
          %gt3A_447 = arith.cmpf ogt, %div3A_444, %gt3A_446 : vector<16xf32>
          %jit3A_448 = arith.constant 1.000000e+00 : f32
          %jit3A_449 = arith.constant 0.000000e+00 : f32
          %broadcast_in_dim3A_450 = vector.broadcast %jit3A_448 : f32 to vector<16xf32>
          %broadcast_in_dim3A_451 = vector.broadcast %jit3A_449 : f32 to vector<16xf32>
          %select_n3A_452 = arith.select %gt3A_447, %broadcast_in_dim3A_450, %broadcast_in_dim3A_451 : vector<16xi1>, vector<16xf32>
          %max3A_453 = arith.maximumf %max3A_385, %select_n3A_452 : vector<16xf32>
          %max3A_454 = arith.maximumf %get3A_417, %sub3A_109 : vector<16xf32>
          %max3A_455 = arith.maximumf %get3A_419, %sub3A_113 : vector<16xf32>
          %min3A_456 = arith.minimumf %get3A_421, %add3A_117 : vector<16xf32>
          %min3A_457 = arith.minimumf %get3A_423, %add3A_121 : vector<16xf32>
          %sub3A_458 = arith.subf %min3A_456, %max3A_454 : vector<16xf32>
          %max3A_459 = arith.constant 0.000000e+00 : f32
          %max3A_460 = vector.broadcast %max3A_459 : f32 to vector<16xf32>
          %max3A_461 = arith.maximumf %sub3A_458, %max3A_460 : vector<16xf32>
          %sub3A_462 = arith.subf %min3A_457, %max3A_455 : vector<16xf32>
          %max3A_463 = arith.constant 0.000000e+00 : f32
          %max3A_464 = vector.broadcast %max3A_463 : f32 to vector<16xf32>
          %max3A_465 = arith.maximumf %sub3A_462, %max3A_464 : vector<16xf32>
          %mul3A_466 = arith.mulf %max3A_461, %max3A_465 : vector<16xf32>
          %add3A_467 = arith.addf %get3A_425, %mul3A_122 : vector<16xf32>
          %sub3A_468 = arith.subf %add3A_467, %mul3A_466 : vector<16xf32>
          %max3A_469 = arith.constant 9.99999971E-10 : f32
          %max3A_470 = vector.broadcast %max3A_469 : f32 to vector<16xf32>
          %max3A_471 = arith.maximumf %sub3A_468, %max3A_470 : vector<16xf32>
          %div3A_472 = arith.divf %mul3A_466, %max3A_471 : vector<16xf32>
          %gt3A_473 = arith.constant 5.000000e-01 : f32
          %gt3A_474 = vector.broadcast %gt3A_473 : f32 to vector<16xf32>
          %gt3A_475 = arith.cmpf ogt, %div3A_472, %gt3A_474 : vector<16xf32>
          %jit3A_476 = arith.constant 1.000000e+00 : f32
          %jit3A_477 = arith.constant 0.000000e+00 : f32
          %broadcast_in_dim3A_478 = vector.broadcast %jit3A_476 : f32 to vector<16xf32>
          %broadcast_in_dim3A_479 = vector.broadcast %jit3A_477 : f32 to vector<16xf32>
          %select_n3A_480 = arith.select %gt3A_475, %broadcast_in_dim3A_478, %broadcast_in_dim3A_479 : vector<16xi1>, vector<16xf32>
          %max3A_481 = arith.maximumf %max3A_413, %select_n3A_480 : vector<16xf32>
          scf.yield %max3A_453, %max3A_481 : vector<16xf32>, vector<16xf32>
        }
        %xor3A = arith.constant 1 : i32
        %xor3A_162 = vector.broadcast %xor3A : i32 to vector<16xi32>
        %xor3A_163 = arith.xori %iota3A, %xor3A_162 : vector<16xi32>
        %lt3A_164 = arith.constant 0 : i32
        %lt3A_165 = vector.broadcast %lt3A_164 : i32 to vector<16xi32>
        %lt3A_166 = arith.cmpi slt, %xor3A_163, %lt3A_165 : vector<16xi32>
        %add3A_167 = arith.constant 16 : i32
        %add3A_168 = vector.broadcast %add3A_167 : i32 to vector<16xi32>
        %add3A_169 = arith.addi %xor3A_163, %add3A_168 : vector<16xi32>
        %select_n3A_170 = arith.select %lt3A_166, %add3A_169, %xor3A_163 : vector<16xi1>, vector<16xi32>
        %broadcast_in_dim3A_171 = vector.shape_cast %select_n3A_170 : vector<16xi32> to vector<16x1xi32>
        %gather3A_172 = vector.shape_cast %broadcast_in_dim3A_171 : vector<16x1xi32> to vector<16xi32>
        %gather3A_173 = tpu.dynamic_gather %while3A_161#0[%gather3A_172] in [0] : vector<16xf32>, vector<16xi32> -> vector<16xf32>
        %max3A = arith.maximumf %while3A_161#0, %gather3A_173 : vector<16xf32>
        %xor3A_174 = arith.constant 2 : i32
        %xor3A_175 = vector.broadcast %xor3A_174 : i32 to vector<16xi32>
        %xor3A_176 = arith.xori %iota3A, %xor3A_175 : vector<16xi32>
        %lt3A_177 = arith.constant 0 : i32
        %lt3A_178 = vector.broadcast %lt3A_177 : i32 to vector<16xi32>
        %lt3A_179 = arith.cmpi slt, %xor3A_176, %lt3A_178 : vector<16xi32>
        %add3A_180 = arith.constant 16 : i32
        %add3A_181 = vector.broadcast %add3A_180 : i32 to vector<16xi32>
        %add3A_182 = arith.addi %xor3A_176, %add3A_181 : vector<16xi32>
        %select_n3A_183 = arith.select %lt3A_179, %add3A_182, %xor3A_176 : vector<16xi1>, vector<16xi32>
        %broadcast_in_dim3A_184 = vector.shape_cast %select_n3A_183 : vector<16xi32> to vector<16x1xi32>
        %gather3A_185 = vector.shape_cast %broadcast_in_dim3A_184 : vector<16x1xi32> to vector<16xi32>
        %gather3A_186 = tpu.dynamic_gather %max3A[%gather3A_185] in [0] : vector<16xf32>, vector<16xi32> -> vector<16xf32>
        %max3A_187 = arith.maximumf %max3A, %gather3A_186 : vector<16xf32>
        %xor3A_188 = arith.constant 4 : i32
        %xor3A_189 = vector.broadcast %xor3A_188 : i32 to vector<16xi32>
        %xor3A_190 = arith.xori %iota3A, %xor3A_189 : vector<16xi32>
        %lt3A_191 = arith.constant 0 : i32
        %lt3A_192 = vector.broadcast %lt3A_191 : i32 to vector<16xi32>
        %lt3A_193 = arith.cmpi slt, %xor3A_190, %lt3A_192 : vector<16xi32>
        %add3A_194 = arith.constant 16 : i32
        %add3A_195 = vector.broadcast %add3A_194 : i32 to vector<16xi32>
        %add3A_196 = arith.addi %xor3A_190, %add3A_195 : vector<16xi32>
        %select_n3A_197 = arith.select %lt3A_193, %add3A_196, %xor3A_190 : vector<16xi1>, vector<16xi32>
        %broadcast_in_dim3A_198 = vector.shape_cast %select_n3A_197 : vector<16xi32> to vector<16x1xi32>
        %gather3A_199 = vector.shape_cast %broadcast_in_dim3A_198 : vector<16x1xi32> to vector<16xi32>
        %gather3A_200 = tpu.dynamic_gather %max3A_187[%gather3A_199] in [0] : vector<16xf32>, vector<16xi32> -> vector<16xf32>
        %max3A_201 = arith.maximumf %max3A_187, %gather3A_200 : vector<16xf32>
        %xor3A_202 = arith.constant 8 : i32
        %xor3A_203 = vector.broadcast %xor3A_202 : i32 to vector<16xi32>
        %xor3A_204 = arith.xori %iota3A, %xor3A_203 : vector<16xi32>
        %lt3A_205 = arith.constant 0 : i32
        %lt3A_206 = vector.broadcast %lt3A_205 : i32 to vector<16xi32>
        %lt3A_207 = arith.cmpi slt, %xor3A_204, %lt3A_206 : vector<16xi32>
        %add3A_208 = arith.constant 16 : i32
        %add3A_209 = vector.broadcast %add3A_208 : i32 to vector<16xi32>
        %add3A_210 = arith.addi %xor3A_204, %add3A_209 : vector<16xi32>
        %select_n3A_211 = arith.select %lt3A_207, %add3A_210, %xor3A_204 : vector<16xi1>, vector<16xi32>
        %broadcast_in_dim3A_212 = vector.shape_cast %select_n3A_211 : vector<16xi32> to vector<16x1xi32>
        %gather3A_213 = vector.shape_cast %broadcast_in_dim3A_212 : vector<16x1xi32> to vector<16xi32>
        %gather3A_214 = tpu.dynamic_gather %max3A_201[%gather3A_213] in [0] : vector<16xf32>, vector<16xi32> -> vector<16xf32>
        %max3A_215 = arith.maximumf %max3A_201, %gather3A_214 : vector<16xf32>
        %slice3A_216 = vector.extract_strided_slice %max3A_215 {offsets = [0], sizes = [1], strides = [1]} : vector<16xf32> to vector<1xf32>
        %squeeze3A_217 = vector.extract %slice3A_216[0] : f32 from vector<1xf32>
        %gt3A = arith.constant 5.000000e-01 : f32
        %gt3A_218 = arith.cmpf ogt, %squeeze3A_217, %gt3A : f32
        %not3A = arith.constant true
        %not3A_219 = arith.xori %gt3A_218, %not3A : i1
        %max3A_220 = arith.maximumf %sub3A_84, %sub3A_109 : vector<16xf32>
        %max3A_221 = arith.maximumf %sub3A_88, %sub3A_113 : vector<16xf32>
        %min3A = arith.minimumf %add3A_92, %add3A_117 : vector<16xf32>
        %min3A_222 = arith.minimumf %add3A_96, %add3A_121 : vector<16xf32>
        %sub3A_223 = arith.subf %min3A, %max3A_220 : vector<16xf32>
        %max3A_224 = arith.constant 0.000000e+00 : f32
        %max3A_225 = vector.broadcast %max3A_224 : f32 to vector<16xf32>
        %max3A_226 = arith.maximumf %sub3A_223, %max3A_225 : vector<16xf32>
        %sub3A_227 = arith.subf %min3A_222, %max3A_221 : vector<16xf32>
        %max3A_228 = arith.constant 0.000000e+00 : f32
        %max3A_229 = vector.broadcast %max3A_228 : f32 to vector<16xf32>
        %max3A_230 = arith.maximumf %sub3A_227, %max3A_229 : vector<16xf32>
        %mul3A_231 = arith.mulf %max3A_226, %max3A_230 : vector<16xf32>
        %add3A_232 = arith.addf %mul3A_97, %mul3A_122 : vector<16xf32>
        %sub3A_233 = arith.subf %add3A_232, %mul3A_231 : vector<16xf32>
        %max3A_234 = arith.constant 9.99999971E-10 : f32
        %max3A_235 = vector.broadcast %max3A_234 : f32 to vector<16xf32>
        %max3A_236 = arith.maximumf %sub3A_233, %max3A_235 : vector<16xf32>
        %div3A_237 = arith.divf %mul3A_231, %max3A_236 : vector<16xf32>
        %gt3A_238 = arith.constant 5.000000e-01 : f32
        %gt3A_239 = vector.broadcast %gt3A_238 : f32 to vector<16xf32>
        %gt3A_240 = arith.cmpf ogt, %div3A_237, %gt3A_239 : vector<16xf32>
        %jit3A_241 = arith.constant 1.000000e+00 : f32
        %jit3A_242 = arith.constant 0.000000e+00 : f32
        %broadcast_in_dim3A_243 = vector.broadcast %jit3A_241 : f32 to vector<16xf32>
        %broadcast_in_dim3A_244 = vector.broadcast %jit3A_242 : f32 to vector<16xf32>
        %select_n3A_245 = arith.select %gt3A_240, %broadcast_in_dim3A_243, %broadcast_in_dim3A_244 : vector<16xi1>, vector<16xf32>
        %slice3A_246 = vector.extract_strided_slice %select_n3A_245 {offsets = [0], sizes = [1], strides = [1]} : vector<16xf32> to vector<1xf32>
        %squeeze3A_247 = vector.extract %slice3A_246[0] : f32 from vector<1xf32>
        %gt3A_248 = arith.constant 5.000000e-01 : f32
        %gt3A_249 = arith.cmpf ogt, %squeeze3A_247, %gt3A_248 : f32
        %mul3A_250 = arith.constant 2 : i32
        %mul3A_251 = arith.muli %mul3A_250, %while3A_66 : i32
        %add3A_252 = arith.constant 1 : i32
        %add3A_253 = arith.addi %mul3A_251, %add3A_252 : i32
        %lt3A_254 = arith.cmpi slt, %add3A_253, %convert_element_type3A_9 : i32
        %xor3A_255 = arith.constant 1 : i32
        %xor3A_256 = vector.broadcast %xor3A_255 : i32 to vector<16xi32>
        %xor3A_257 = arith.xori %iota3A, %xor3A_256 : vector<16xi32>
        %lt3A_258 = arith.constant 0 : i32
        %lt3A_259 = vector.broadcast %lt3A_258 : i32 to vector<16xi32>
        %lt3A_260 = arith.cmpi slt, %xor3A_257, %lt3A_259 : vector<16xi32>
        %add3A_261 = arith.constant 16 : i32
        %add3A_262 = vector.broadcast %add3A_261 : i32 to vector<16xi32>
        %add3A_263 = arith.addi %xor3A_257, %add3A_262 : vector<16xi32>
        %select_n3A_264 = arith.select %lt3A_260, %add3A_263, %xor3A_257 : vector<16xi1>, vector<16xi32>
        %broadcast_in_dim3A_265 = vector.shape_cast %select_n3A_264 : vector<16xi32> to vector<16x1xi32>
        %gather3A_266 = vector.shape_cast %broadcast_in_dim3A_265 : vector<16x1xi32> to vector<16xi32>
        %gather3A_267 = tpu.dynamic_gather %while3A_161#1[%gather3A_266] in [0] : vector<16xf32>, vector<16xi32> -> vector<16xf32>
        %max3A_268 = arith.maximumf %while3A_161#1, %gather3A_267 : vector<16xf32>
        %xor3A_269 = arith.constant 2 : i32
        %xor3A_270 = vector.broadcast %xor3A_269 : i32 to vector<16xi32>
        %xor3A_271 = arith.xori %iota3A, %xor3A_270 : vector<16xi32>
        %lt3A_272 = arith.constant 0 : i32
        %lt3A_273 = vector.broadcast %lt3A_272 : i32 to vector<16xi32>
        %lt3A_274 = arith.cmpi slt, %xor3A_271, %lt3A_273 : vector<16xi32>
        %add3A_275 = arith.constant 16 : i32
        %add3A_276 = vector.broadcast %add3A_275 : i32 to vector<16xi32>
        %add3A_277 = arith.addi %xor3A_271, %add3A_276 : vector<16xi32>
        %select_n3A_278 = arith.select %lt3A_274, %add3A_277, %xor3A_271 : vector<16xi1>, vector<16xi32>
        %broadcast_in_dim3A_279 = vector.shape_cast %select_n3A_278 : vector<16xi32> to vector<16x1xi32>
        %gather3A_280 = vector.shape_cast %broadcast_in_dim3A_279 : vector<16x1xi32> to vector<16xi32>
        %gather3A_281 = tpu.dynamic_gather %max3A_268[%gather3A_280] in [0] : vector<16xf32>, vector<16xi32> -> vector<16xf32>
        %max3A_282 = arith.maximumf %max3A_268, %gather3A_281 : vector<16xf32>
        %xor3A_283 = arith.constant 4 : i32
        %xor3A_284 = vector.broadcast %xor3A_283 : i32 to vector<16xi32>
        %xor3A_285 = arith.xori %iota3A, %xor3A_284 : vector<16xi32>
        %lt3A_286 = arith.constant 0 : i32
        %lt3A_287 = vector.broadcast %lt3A_286 : i32 to vector<16xi32>
        %lt3A_288 = arith.cmpi slt, %xor3A_285, %lt3A_287 : vector<16xi32>
        %add3A_289 = arith.constant 16 : i32
        %add3A_290 = vector.broadcast %add3A_289 : i32 to vector<16xi32>
        %add3A_291 = arith.addi %xor3A_285, %add3A_290 : vector<16xi32>
        %select_n3A_292 = arith.select %lt3A_288, %add3A_291, %xor3A_285 : vector<16xi1>, vector<16xi32>
        %broadcast_in_dim3A_293 = vector.shape_cast %select_n3A_292 : vector<16xi32> to vector<16x1xi32>
        %gather3A_294 = vector.shape_cast %broadcast_in_dim3A_293 : vector<16x1xi32> to vector<16xi32>
        %gather3A_295 = tpu.dynamic_gather %max3A_282[%gather3A_294] in [0] : vector<16xf32>, vector<16xi32> -> vector<16xf32>
        %max3A_296 = arith.maximumf %max3A_282, %gather3A_295 : vector<16xf32>
        %xor3A_297 = arith.constant 8 : i32
        %xor3A_298 = vector.broadcast %xor3A_297 : i32 to vector<16xi32>
        %xor3A_299 = arith.xori %iota3A, %xor3A_298 : vector<16xi32>
        %lt3A_300 = arith.constant 0 : i32
        %lt3A_301 = vector.broadcast %lt3A_300 : i32 to vector<16xi32>
        %lt3A_302 = arith.cmpi slt, %xor3A_299, %lt3A_301 : vector<16xi32>
        %add3A_303 = arith.constant 16 : i32
        %add3A_304 = vector.broadcast %add3A_303 : i32 to vector<16xi32>
        %add3A_305 = arith.addi %xor3A_299, %add3A_304 : vector<16xi32>
        %select_n3A_306 = arith.select %lt3A_302, %add3A_305, %xor3A_299 : vector<16xi1>, vector<16xi32>
        %broadcast_in_dim3A_307 = vector.shape_cast %select_n3A_306 : vector<16xi32> to vector<16x1xi32>
        %gather3A_308 = vector.shape_cast %broadcast_in_dim3A_307 : vector<16x1xi32> to vector<16xi32>
        %gather3A_309 = tpu.dynamic_gather %max3A_296[%gather3A_308] in [0] : vector<16xf32>, vector<16xi32> -> vector<16xf32>
        %max3A_310 = arith.maximumf %max3A_296, %gather3A_309 : vector<16xf32>
        %slice3A_311 = vector.extract_strided_slice %max3A_310 {offsets = [0], sizes = [1], strides = [1]} : vector<16xf32> to vector<1xf32>
        %squeeze3A_312 = vector.extract %slice3A_311[0] : f32 from vector<1xf32>
        %gt3A_313 = arith.constant 5.000000e-01 : f32
        %gt3A_314 = arith.cmpf ogt, %squeeze3A_312, %gt3A_313 : f32
        %and3A_315 = arith.andi %not3A_219, %gt3A_249 : i1
        %or3A = arith.ori %gt3A_314, %and3A_315 : i1
        %not3A_316 = arith.constant true
        %not3A_317 = arith.xori %or3A, %not3A_316 : i1
        %and3A_318 = arith.andi %not3A_317, %lt3A_254 : i1
        %jit3A_319 = arith.constant 0.000000e+00 : f32
        %jit3A_320 = arith.constant 1.000000e+00 : f32
        %select_n3A_321 = arith.select %gt3A_218, %jit3A_319, %jit3A_320 : f32
        %broadcast_in_dim3A_322 = vector.broadcast %select_n3A_321 : f32 to vector<16xf32>
        tpu.vector_store_idx %arg20[%broadcast_in_dim3A_70], %broadcast_in_dim3A_322 masked %eq3A_29 : memref<5008xf32, #tpu.memory_space<vmem>>[vector<16xi32>], vector<16xf32>, vector<16xi1>
        %jit3A_323 = arith.constant 0.000000e+00 : f32
        %jit3A_324 = arith.constant 1.000000e+00 : f32
        %select_n3A_325 = arith.select %or3A, %jit3A_323, %jit3A_324 : f32
        %broadcast_in_dim3A_326 = vector.broadcast %select_n3A_325 : f32 to vector<16xf32>
        %and3A_327 = vector.broadcast %lt3A_254 : i1 to vector<16xi1>
        %and3A_328 = arith.andi %eq3A_29, %and3A_327 : vector<16xi1>
        tpu.vector_store_idx %arg20[%add3A_73], %broadcast_in_dim3A_326 masked %and3A_328 : memref<5008xf32, #tpu.memory_space<vmem>>[vector<16xi32>], vector<16xf32>, vector<16xi1>
        %jit3A_329 = arith.constant 1 : i32
        %jit3A_330 = arith.constant 0 : i32
        %select_n3A_331 = arith.select %not3A_219, %jit3A_329, %jit3A_330 : i32
        %and3A_332 = vector.broadcast %not3A_219 : i1 to vector<16xi1>
        %and3A_333 = arith.andi %eq3A_29, %and3A_332 : vector<16xi1>
        %and3A_334 = vector.broadcast %and3A_318 : i1 to vector<16xi1>
        %and3A_335 = arith.andi %eq3A_29, %and3A_334 : vector<16xi1>
        %broadcast_in_dim3A_336 = vector.broadcast %while3A_67 : i32 to vector<16xi32>
        %add3A_337 = vector.broadcast %select_n3A_331 : i32 to vector<16xi32>
        %add3A_338 = arith.addi %broadcast_in_dim3A_336, %add3A_337 : vector<16xi32>
        tpu.vector_store_idx %arg15[%broadcast_in_dim3A_336], %sub3A_84 masked %and3A_333 : memref<5024xf32, #tpu.memory_space<vmem>>[vector<16xi32>], vector<16xf32>, vector<16xi1>
        tpu.vector_store_idx %arg16[%broadcast_in_dim3A_336], %sub3A_88 masked %and3A_333 : memref<5024xf32, #tpu.memory_space<vmem>>[vector<16xi32>], vector<16xf32>, vector<16xi1>
        tpu.vector_store_idx %arg17[%broadcast_in_dim3A_336], %add3A_92 masked %and3A_333 : memref<5024xf32, #tpu.memory_space<vmem>>[vector<16xi32>], vector<16xf32>, vector<16xi1>
        tpu.vector_store_idx %arg18[%broadcast_in_dim3A_336], %add3A_96 masked %and3A_333 : memref<5024xf32, #tpu.memory_space<vmem>>[vector<16xi32>], vector<16xf32>, vector<16xi1>
        tpu.vector_store_idx %arg19[%broadcast_in_dim3A_336], %mul3A_97 masked %and3A_333 : memref<5024xf32, #tpu.memory_space<vmem>>[vector<16xi32>], vector<16xf32>, vector<16xi1>
        tpu.vector_store_idx %arg15[%add3A_338], %sub3A_109 masked %and3A_335 : memref<5024xf32, #tpu.memory_space<vmem>>[vector<16xi32>], vector<16xf32>, vector<16xi1>
        tpu.vector_store_idx %arg16[%add3A_338], %sub3A_113 masked %and3A_335 : memref<5024xf32, #tpu.memory_space<vmem>>[vector<16xi32>], vector<16xf32>, vector<16xi1>
        tpu.vector_store_idx %arg17[%add3A_338], %add3A_117 masked %and3A_335 : memref<5024xf32, #tpu.memory_space<vmem>>[vector<16xi32>], vector<16xf32>, vector<16xi1>
        tpu.vector_store_idx %arg18[%add3A_338], %add3A_121 masked %and3A_335 : memref<5024xf32, #tpu.memory_space<vmem>>[vector<16xi32>], vector<16xf32>, vector<16xi1>
        tpu.vector_store_idx %arg19[%add3A_338], %mul3A_122 masked %and3A_335 : memref<5024xf32, #tpu.memory_space<vmem>>[vector<16xi32>], vector<16xf32>, vector<16xi1>
        %add3A_339 = arith.addi %while3A_67, %select_n3A_331 : i32
        %jit3A_340 = arith.constant 1 : i32
        %jit3A_341 = arith.constant 0 : i32
        %select_n3A_342 = arith.select %and3A_318, %jit3A_340, %jit3A_341 : i32
        %add3A_343 = arith.addi %add3A_339, %select_n3A_342 : i32
        scf.yield %add3A_343 : i32
      }
      %scan3A_60 = arith.constant 0 : i32
      %scan3A_61 = arith.constant 0 : i32
      %scan3A_62 = arith.constant 313 : i32
      %scan3A_63 = arith.addi %scan3A_61, %scan3A_62 : i32
      %scan3A_64 = arith.constant 1 : i32
      scf.for %scan3A_66 = %scan3A_61 to %scan3A_63 step %scan3A_64  : i32 {
        %mul3A = arith.constant 16 : i32
        %mul3A_67 = arith.muli %scan3A_66, %mul3A : i32
        %get3A = arith.index_cast %mul3A_67 : i32 to index
        %get3A_68 = tpu.vector_load %arg20[%get3A] {strides = array<i32>} : memref<5008xf32, #tpu.memory_space<vmem>>, vector<16xf32>,
        %swap3A = arith.index_cast %mul3A_67 : i32 to index
        %swap3A_69 = tpu.vector_load %arg21[%swap3A] {strides = array<i32>} : memref<5008xf32, #tpu.memory_space<vmem>>, vector<16xf32>,
        tpu.vector_store %arg21[%swap3A], %get3A_68 {strides = array<i32>} : memref<5008xf32, #tpu.memory_space<vmem>>, vector<16xf32>,
      }
      %scan3A_65 = arith.constant 313 : i32
      "tpu.region"() ({
        %run_scoped3A = tpu.sem_alloc : memref<!tpu.dma_semaphore, #tpu.memory_space<semaphore_mem>>
        %dma_start3A = arith.constant 0 : i32
        %dma_start3A_66 = tpu.memref_slice %arg8[%arg1, %dma_start3A] : memref<8x5008xf32, #tpu.memory_space<hbm>> -> memref<1x5008xf32, #tpu.memory_space<hbm>>
        %dma_start3A_67 = tpu.memref_squeeze %dma_start3A_66 : memref<1x5008xf32, #tpu.memory_space<hbm>> -> memref<5008xf32, #tpu.memory_space<hbm>>
        %dma_start3A_68 = arith.constant 0 : i32
        %dma_start3A_69 = tpu.memref_slice %arg8[%arg1, %dma_start3A_68] : memref<8x5008xf32, #tpu.memory_space<hbm>> -> memref<1x5008xf32, #tpu.memory_space<hbm>>
        %dma_start3A_70 = tpu.memref_squeeze %dma_start3A_69 : memref<1x5008xf32, #tpu.memory_space<hbm>> -> memref<5008xf32, #tpu.memory_space<hbm>>
        tpu.enqueue_dma source(%arg21 : memref<5008xf32, #tpu.memory_space<vmem>>) target(%dma_start3A_70 : memref<5008xf32, #tpu.memory_space<hbm>>) target_semaphore(%run_scoped3A : memref<!tpu.dma_semaphore, #tpu.memory_space<semaphore_mem>>)
        %dma_wait3A = arith.constant 0 : i32
        %dma_wait3A_71 = tpu.memref_slice %arg8[%arg1, %dma_wait3A] : memref<8x5008xf32, #tpu.memory_space<hbm>> -> memref<1x5008xf32, #tpu.memory_space<hbm>>
        %dma_wait3A_72 = tpu.memref_squeeze %dma_wait3A_71 : memref<1x5008xf32, #tpu.memory_space<hbm>> -> memref<5008xf32, #tpu.memory_space<hbm>>
        %dma_wait3A_73 = arith.constant 0 : i32
        %dma_wait3A_74 = tpu.memref_slice %arg8[%arg1, %dma_wait3A_73] : memref<8x5008xf32, #tpu.memory_space<hbm>> -> memref<1x5008xf32, #tpu.memory_space<hbm>>
        %dma_wait3A_75 = tpu.memref_squeeze %dma_wait3A_74 : memref<1x5008xf32, #tpu.memory_space<hbm>> -> memref<5008xf32, #tpu.memory_space<hbm>>
        tpu.wait_dma2 semaphore(%run_scoped3A : memref<!tpu.dma_semaphore, #tpu.memory_space<semaphore_mem>>) src(%arg21 : memref<5008xf32, #tpu.memory_space<vmem>>) dst(%dma_wait3A_75 : memref<5008xf32, #tpu.memory_space<hbm>>)
        tpu.yield
      }) : () -> ()
    } else {
    }
    return
  }
}

</mosaic_0001>

<sc_bundles>
// kernel: kernel.3.cloned.1.call-start
scs
__scs_entry_jumppad:
0x0: {  	(pc) =	sbr.rel $0x88, $3  }
0x1: {  	(tag) =	ssettag $0x0;
	lr =	simm.s32 $0x1  }
0x2: {  	[smem:$0x3F9E] =	sst lr;
	_ =	strace $0xD0000000  }
0x3: {  	_ = 	snop  }
0x4: {  	_ = 	snop  }
0x5: {  	_ = 	snop  }
0x6: {  	_ = 	snop  }
0x7: {  	_ = 	snop  }
__scs_overlays_trampoline_lowered:
0x8: {  	[smem:$0x3FAD] =	sst s0  }
0x9: {  	[smem:$0x3FAE] =	sst s1  }
0xa: {  	[smem:$0x3FAF] =	sst s2  }
0xb: {  	[smem:$0x3FB0] =	sst s3  }
0xc: {  	[smem:$0x3FB1] =	sst s4  }
0xd: {  	[smem:$0x3FB2] =	sst s5  }
0xe: {  	[smem:$0x3FB3] =	sst s6  }
0xf: {  	[smem:$0x3FB4] =	sst s7  }
0x10: {  	[smem:$0x3FB5] =	sst s8  }
0x11: {  	[smem:$0x3FB6] =	sst s9;
	s0 =	simm.s32 @!p0 $0x0  }
0x12: {  	s1 =	sld [smem:$0x3F9C];
	s0 =	simm.s32 @p0 $0x1  }
0x13: {  	[smem:$0x3FB7] =	sst s0;
	s0 =	simm.s32 @!p1 $0x0  }
0x14: {  	s2 =	sld [smem:$0x3F9B];
	s0 =	simm.s32 @p1 $0x1  }
0x15: {  	[smem:$0x3FB8] =	sst s0;
	s0 =	simm.s32 @!p2 $0x0  }
0x16: {  	s3 =	sld [smem:$0x3FDB];
	s0 =	simm.s32 @p2 $0x1  }
0x17: {  	s4 =	simm.s32 $0x1BF5;
	[smem:$0x3FBA] =	sst s0  }
0x18: {  	s0 =	sld [smem:$0x3F9D];
	_ =	swait.ge [sflag:s4], $0x0  }
0x19: {  	s7 =	sld [smem:$0x3F9E]  }
0x1a: {  	s8 =	sadd.s32 $0xFFFFE003, lr  }
0x1b: {  	s9 =	sadd.s32 $0xFFFFFEF7, lr;
	s5 =	simm.s32 $0xFFFFFFFF;
	p2 =	slt.u32 s8, $0xFFFFF086  }
0x1c: {  	p1 =	slt.u32 s9, $0xF7A;
	s5 =	simm.s32 @!p2 $0x0  }
0x1d: {  	s5 =	simm.s32 @p1 $0x1;
	p0 =	seq.s32 s7, s2  }
0x1e: {  	s7 =	smul.u32 @!p0 $0xF7A, s2;
	p2 =	seq.s32 @!p0 s5, $0x0  }
0x1f: {  	s9 =	smul.u32 $0xF7A, s1;
	s8 =	simm.s32 @!p0 $0x1BF5;
	p2 =	por !p2, p0  }
0x20: {  	[sflag:s8] =	ssyncset.s32 @!p0 $0xFFFFF086;
	s6 =	sadd.s32 @!p0 s3, s7;
	s7 =	simm.s32 @!p0 $0x108  }
0x21: {  	s3 =	sadd.s32 s3, s9;
	s6 =	sadd.s32 @!p0 $0x88, s6;
	s7 =	simm.s32 @p2 $0x1082  }
0x22: {  	[simem:s7], [sflag:s8] =	dma.local @!p0 [hbm:s6], $0xF7A  }
0x23: {  	s9 =	sor.u32 $0xD0000000, s2;
	s6 =	simm.s32 $0x108;
	_ =	swait.ge @!p0 [sflag:s8], $0x0  }
0x24: {  	s3 =	sadd.s32 $0x88, s3;
	s6 =	simm.s32 @!p1 $0x1082;
	[sflag:s4] =	ssyncset.s32 $0xFFFFF086  }
0x25: {  	[simem:s6], [sflag:s4] =	dma.local [hbm:s3], $0xF7A  }
0x26: {  	[smem:$0x3F9E] =	sst s1;
	(tag) =	ssettag s2;
	_ =	strace s9  }
0x27: {  	s1 =	sld [smem:$0x3FAE]  }
0x28: {  	s2 =	sld [smem:$0x3FAF]  }
0x29: {  	s4 =	sld [smem:$0x3FB1]  }
0x2a: {  	p0 =	seq.s32 s5, $0x0;
	s5 =	sld [smem:$0x3FB2]  }
0x2b: {  	s6 =	sld [smem:$0x3FB3]  }
0x2c: {  	s7 =	sld [smem:$0x3FB4]  }
0x2d: {  	s3 =	simm.s32 $0x108;
	s8 =	sld [smem:$0x3FB5]  }
0x2e: {  	s3 =	simm.s32 @!p0 $0x1082;
	s9 =	sld [smem:$0x3FB6]  }
0x2f: {  	lr =	sadd.s32 s0, s3;
	s0 =	sld [smem:$0x3FAD]  }
0x30: {  	s3 =	sld [smem:$0x3FB0]  }
0x31: {  	[smem:$0x3FB9] =	sst s10  }
0x32: {  	s10 =	sld [smem:$0x3FB7];
	_ =	sdelay $0x3  }
0x33: {  	p0 =	seq.s32 s10, $0x1;
	s10 =	sld [smem:$0x3FB9];
	_ =	sdelay $0x3  }
0x34: {  	[smem:$0x3FB9] =	sst s10  }
0x35: {  	s10 =	sld [smem:$0x3FB8];
	_ =	sdelay $0x3  }
0x36: {  	p1 =	seq.s32 s10, $0x1;
	s10 =	sld [smem:$0x3FB9];
	_ =	sdelay $0x3  }
0x37: {  	[smem:$0x3FB9] =	sst s10  }
0x38: {  	s10 =	sld [smem:$0x3FBA]  }
0x39: {  	_ = 	snop;
	(pc) =	sbr.ind lr, $3  }
0x3a: {  	_ = 	snop  }
0x3b: {  	_ = 	snop  }
0x3c: {  	p2 =	seq.s32 s10, $0x1;
	s10 =	sld [smem:$0x3FB9]  }
0x3d: {  	_ =	shalt  }
0x3e: {  	_ =	shalt  }
0x3f: {  	_ =	shalt  }
0x40: {  	_ =	shalt  }
0x41: {  	_ =	shalt  }
0x42: {  	_ =	shalt  }
0x43: {  	_ =	shalt  }
0x44: {  	_ =	shalt  }
0x45: {  	_ =	shalt  }
0x46: {  	_ =	shalt  }
0x47: {  	_ =	shalt  }
0x48: {  	_ =	shalt  }
0x49: {  	_ =	shalt  }
0x4a: {  	_ =	shalt  }
0x4b: {  	_ =	shalt  }
0x4c: {  	_ =	shalt  }
0x4d: {  	_ =	shalt  }
0x4e: {  	_ =	shalt  }
0x4f: {  	_ =	shalt  }
0x50: {  	_ =	shalt  }
0x51: {  	_ =	shalt  }
0x52: {  	_ =	shalt  }
0x53: {  	_ =	shalt  }
0x54: {  	_ =	shalt  }
0x55: {  	_ =	shalt  }
0x56: {  	_ =	shalt  }
0x57: {  	_ =	shalt  }
0x58: {  	_ =	shalt  }
0x59: {  	_ =	shalt  }
0x5a: {  	_ =	shalt  }
0x5b: {  	_ =	shalt  }
0x5c: {  	_ =	shalt  }
0x5d: {  	_ =	shalt  }
0x5e: {  	_ =	shalt  }
0x5f: {  	_ =	shalt  }
0x60: {  	_ =	shalt  }
0x61: {  	_ =	shalt  }
0x62: {  	_ =	shalt  }
0x63: {  	_ =	shalt  }
0x64: {  	_ =	shalt  }
0x65: {  	_ =	shalt  }
0x66: {  	_ =	shalt  }
0x67: {  	_ =	shalt  }
0x68: {  	_ =	shalt  }
0x69: {  	_ =	shalt  }
0x6a: {  	_ =	shalt  }
0x6b: {  	_ =	shalt  }
0x6c: {  	_ =	shalt  }
0x6d: {  	_ =	shalt  }
0x6e: {  	_ =	shalt  }
0x6f: {  	_ =	shalt  }
0x70: {  	_ =	shalt  }
0x71: {  	_ =	shalt  }
0x72: {  	_ =	shalt  }
0x73: {  	_ =	shalt  }
0x74: {  	_ =	shalt  }
0x75: {  	_ =	shalt  }
0x76: {  	_ =	shalt  }
0x77: {  	_ =	shalt  }
0x78: {  	_ =	shalt  }
0x79: {  	_ =	shalt  }
0x7a: {  	_ =	shalt  }
0x7b: {  	_ =	shalt  }
0x7c: {  	_ =	shalt  }
0x7d: {  	_ =	shalt  }
0x7e: {  	_ =	shalt  }
0x7f: {  	_ =	shalt  }
0x80: {  	_ =	shalt  }
0x81: {  	_ =	shalt  }
0x82: {  	_ =	shalt  }
0x83: {  	_ =	shalt  }
0x84: {  	_ =	shalt  }
0x85: {  	_ =	shalt  }
0x86: {  	_ =	shalt  }
0x87: {  	_ =	shalt  }
.Lfunc_end0:
.L_simem_size_0:
called_computation_lowered:
.L_overlay_start_0:
0x88: {  	s2 =	sld [smem:$0x3FD9]  }
0x89: {  	s3 =	sld [smem:$0x3FFE];
	_ =	sdelay $0x1  }
0x8a: {  	s1 =	srdreg.scid  }
0x8b: {  	s0 =	sand.u32 $0x1, s1  }
0x8c: {  	s17 =	sshll.u32 s0, $0xA;
	s2 =	sadd.s32 s3, s2  }
0x8d: {  	s2 =	sadd.s32 s2, s17  }
0x8e: {  	[smem:$0x3FC5] =	sst s2  }
0x8f: {  	_ = 	snop  }
0x90: {  	s2 =	sld [smem:$0x3FD0];
	(tm) =	ssettm $0x1  }
0x91: {  	s18 =	sld [smem:$0x3FFB];
	_ =	sdelay $0x3  }
0x92: {  	_ =	strace s18  }
0x93: {  	s3 =	sld [smem:$0x3FFC];
	_ =	sdelay $0x3  }
0x94: {  	_ =	strace s3  }
0x95: {  	s3 =	sld [smem:$0x3FFD];
	_ =	sdelay $0x3  }
0x96: {  	_ =	strace s3  }
0x97: {  	_ =	strace $0x8FFFFFFF  }
0x98: {  	s19 =	sld [smem:$0x3FDB];
	_ =	sdelay $0x1  }
0x99: {  	s4 =	simm.s32 $_scs_section_size  }
0x9a: {  	s5 =	simm.s32 $_size__tile_overlayer_lowered;
	s6 =	simm.s32 $_tile_overlayer_lowered  }
0x9b: {  	s22 =	simm.s32 $0x1BFF;
	s21 =	sshll.u32 s6, $0x1;
	s3 =	sadd.s32 s4, s19  }
0x9c: {  	s7 =	simm.s32 $0x0;
	s20 =	sshll.u32 s5, $0x1;
	s5 =	sadd.s32 s21, s3  }
0x9d: {  	[timem:s7], [sflag:s22] =	dma.local [hbm:s5], s20  }
0x9e: {  	_ =	swait.ge [sflag:s22], s20  }
0x9f: {  	s4 =	ssub.s32 $0x0, s20;
	[sflag:s22] =	ssyncset.done $0x0  }
0xa0: {  	[sflag:s22] =	ssyncadd.s32 s4;
	_ =	sdelay $0x1  }
0xa1: {  	s23 =	simm.s32 $0x1B8B  }
0xa2: {  	_ =	swait.ge [sflag:s23], $0x1  }
0xa3: {  	[sflag:s23] =	ssyncset.done $0x0  }
0xa4: {  	s25 =	simm.s32 $0x1B8E;
	s24 =	sld [smem:$0x3FFE];
	[sflag:s23] =	ssyncadd.s32 $0xFFFFFFFF  }
0xa5: {  	s26 =	simm.s32 $execute0_lowered;
	[smem:$0x3FD2] =	sst s25  }
0xa6: {  	s5 =	sshll.u32 s26, $0x1;
	_ =	strace $0x80000046;
	[dreg:$0x1] =	wrdreg $0xFFFFFFFF  }
0xa7: {  	s28 =	simm.s32 $_size_execute0_lowered;
	s3 =	sadd.s32 s3, s5;
	[dreg:$0x0] =	wrdreg $0x0  }
0xa8: {  	s5 =	sshll.u32 s28, $0x1;
	[dreg:$0x2] =	wrdreg s3  }
0xa9: {  	[dreg:$0x3] =	wrdreg s5  }
0xaa: {  	[dreg:$0x4] =	wrdreg $0xC0  }
0xab: {  	_ =	task [dreg:s7], $0x5FFFF  }
0xac: {  	[dreg:$0x1] =	wrdreg $0xFFFFFFFF  }
0xad: {  	[dreg:$0x0] =	wrdreg $0x60  }
0xae: {  	[dreg:$0x2] =	wrdreg s24  }
0xaf: {  	[dreg:$0x3] =	wrdreg s2  }
0xb0: {  	[dreg:$0x4] =	wrdreg $0x9  }
0xb1: {  	_ =	task.clear_ibuf [dreg:s7], $0x5FFFF;
	_ =	strace $0x90000046  }
0xb2: {  	s29 =	simm.s32 $0x9;
	_ =	strace $0x80000048  }
0xb3: {  	_ =	swait.ge [sflag:s29], $0x1  }
0xb4: {  	[sflag:s29] =	ssyncadd.s32 $0xFFFFFFFF  }
0xb5: {  	_ =	strace $0x90000048  }
0xb6: {  	_ =	sfence  }
0xb7: {  	s30 =	sld [smem:$0x0];
	_ =	sdelay $0x2  }
0xb8: {  	s31 =	sshll.u32 s1, $0xD;
	s1 =	sshrl.u32 s1, $0x2  }
0xb9: {  	s3 =	sand.u32 $0x4000, s31;
	s1 =	sadd.s32 s1, s30  }
0xba: {  	s0 =	sor.u32 s3, s0;
	s1 =	sshll.u32 s1, $0x11  }
0xbb: {  	s0 =	sor.u32 s1, s0  }
0xbc: {  	s0 =	sadd.s32 $0x8F2B, s0  }
0xbd: {  	[sflag:s0] =	ssyncadd.remote.s32 $0x1  }
0xbe: {  	_ =	sfence.sel $0xFFFF  }
0xbf: {  	[dreg:$0x0] =	wrdreg $0xFFFFFFFF;
	(pc) =	sbr.abs _section_cstart, $3  }
0xc0: {  	[dreg:$0x1] =	wrdreg $0xFFFFFFFF  }
0xc1: {  	_ =	task.clear_ibuf [dreg:s7], $0x2FFFF;
	_ =	strace $0x9FFFFFFF  }
0xc2: {  	(tm) =	ssettm $0x7FFFFFFF  }
0xc3: {  	_ =	shalt  }
tec
execute0_lowered:
.L_overlay_start_1:
0x0: {  	(tag) =	ssettag $0x1  }
0x1: {  	s0 =	srdreg.scid  }
0x2: {  	s0 =	sand.u32 $0x1, s0  }
0x3: {  	s1 =	stileid.u32;
	p0 =	seq.s32 s0, $0x1  }
0x4: {  	p1 =	sgt.u32 @!p0 s1, $0x7  }
0x5: {  	p0 =	por p0, p1  }
.Ltmp0:
0x6: {  	_ = 	snop;
	(pc) =	sbr.rel @p0 .LBB2_19-.Ltmp0, $4  }
0x7: {  	s4 =	rddreg [dreg:$0x0]  }
0x8: {  	s2 =	rddreg [dreg:$0x1];
	s3 =	simm.s32 $0x0  }
0x9: {  	[smem:$0x7FF] =	sst s3  }
0xa: {  	s0 =	rddreg [dreg:$0x2];
	_ =	strace $0x80000047  }
0xb: {  	s5 =	sadd.s32 $0x1000, s4;
	s22 =	simm.s32 $0x1  }
0xc: {  	[tilespmem:s3], [sflag:$0x1] =	stream.linear.gather [hbm4b:s5+s3], $0x1400, $0x38;
	[tilespmem:$0xF080] =	vst v63  }
0xd: {  	_ =	swait.ge [sflag:s22], $0x1400  }
0xe: {  	[sflag:s22] =	ssyncset.done $0x0  }
0xf: {  	s6 =	sadd.s32 $0xC00, s4;
	s7 =	simm.s32 $0x1400;
	[sflag:s22] =	ssyncadd.s32 $0xFFFFEC00  }
0x10: {  	[tilespmem:s7], [sflag:$0x1] =	stream.linear.gather [hbm4b:s6+s3], $0x1400, $0x38;
	[tilespmem:$0xF080] =	vst v63  }
0x11: {  	_ =	swait.ge [sflag:s22], $0x1400  }
0x12: {  	[sflag:s22] =	ssyncset.done $0x0  }
0x13: {  	s23 =	sadd.s32 $0x800, s4;
	s24 =	simm.s32 $0x2800;
	[sflag:s22] =	ssyncadd.s32 $0xFFFFEC00  }
0x14: {  	[tilespmem:s24], [sflag:$0x1] =	stream.linear.gather [hbm4b:s23+s3], $0x1400, $0x38;
	[tilespmem:$0xF080] =	vst v63  }
0x15: {  	_ =	swait.ge [sflag:s22], $0x1400  }
0x16: {  	[sflag:s22] =	ssyncset.done $0x0  }
0x17: {  	s25 =	sadd.s32 $0x400, s4;
	s26 =	simm.s32 $0x3C00;
	[sflag:s22] =	ssyncadd.s32 $0xFFFFEC00  }
0x18: {  	[tilespmem:s26], [sflag:$0x1] =	stream.linear.gather [hbm4b:s25+s3], $0x1400, $0x38;
	[tilespmem:$0xF080] =	vst v63  }
0x19: {  	_ =	swait.ge [sflag:s22], $0x1400  }
0x1a: {  	[sflag:s22] =	ssyncset.done $0x0  }
0x1b: {  	s28 =	simm.s32 $0x5000;
	[sflag:s22] =	ssyncadd.s32 $0xFFFFEC00  }
0x1c: {  	[tilespmem:s28], [sflag:$0x1] =	stream.linear.gather [hbm4b:s4+s3], $0x1400, $0x38;
	[tilespmem:$0xF080] =	vst v63  }
0x1d: {  	_ =	swait.ge [sflag:s22], $0x1400  }
0x1e: {  	[sflag:s22] =	ssyncset.done $0x0  }
0x1f: {  	s29 =	sadd.s32 $0x1400, s4;
	v0 =	vmov s1;
	s30 =	simm.s32 $0x6400;
	[sflag:s22] =	ssyncadd.s32 $0xFFFFEC00  }
0x20: {  	v1 =	vor.u32 $0x8, v0;
	[tilespmem:s30], [sflag:$0x1] =	stream.linear.gather [hbm4b:s29+s3], $0x80, $0x38;
	[tilespmem:$0xF080] =	vst v63  }
0x21: {  	_ =	swait.ge [sflag:s22], $0x80  }
0x22: {  	[sflag:s22] =	ssyncset.done $0x0  }
0x23: {  	[sflag:s22] =	ssyncadd.s32 $0xFFFFFF80  }
0x24: {  	s31 =	sshll.u32 s1, $0x4;
	v3 =	vld.idx.msk [tilespmem:v0+s30+$0x0], $0xffff  }
0x25: {  	s2 =	sadd.s32 s2, s31;
	v4 =	vld.idx.msk [tilespmem:v1+s30+$0x0], $0xffff;
	v0 =	vimm.f32 $0.0e+00  }
.LBB2_2:
0x26: {  	p0 =	sne.s32 s3, $0x4E00  }
.Ltmp1:
0x27: {  	_ = 	snop;
	(pc) =	sbr.rel @p0 .LBB2_2-.Ltmp1, $3  }
0x28: {  	_ =	sdelay $0x1  }
0x29: {  	s4 =	sshra.s32 s3, $0x2  }
0x2a: {  	s3 =	sadd.s32 $0x40, s3;
	[tilespmem:s4+$0xC880] =	vst v0  }
0x2b: {  	v0 =	vimm.f32 $2.999999890e+30;
	v1 =	vimm.f32 $-2.999999890e+30;
	v2 =	vimm.f32 $0.0e+00;
	s3 =	simm.s32 $0x40;
	s6 =	simm.s32 $0x0  }
.LBB2_4:
0x2c: {  	p0 =	sne.s32 s3, $0x4E40;
	[tilespmem:s6+$0xB480] =	vst v2;
	s4 =	smov.u32 s3;
	s3 =	sadd.s32 $0x40, s3  }
.Ltmp2:
0x2d: {  	[tilespmem:s6+$0xA080] =	vst v1;
	(pc) =	sbr.rel @p0 .LBB2_4-.Ltmp2, $4  }
0x2e: {  	[tilespmem:s6+$0x8C80] =	vst v1  }
0x2f: {  	[tilespmem:s6+$0x6480] =	vst v0  }
0x30: {  	[tilespmem:s6+$0x7880] =	vst v0  }
0x31: {  	s6 =	sshra.s32 s4, $0x2  }
0x32: {  	(v2sf) =	vpush v3, $0x0  }
0x33: {  	(v2sf) =	vpush v4, $0x0;
	_ =	sdelay $0xd  }
0x34: {  	s5 =	spop (v2sf)  }
0x35: {  	s3 =	spop (v2sf)  }
0x36: {  	s3 =	scvt.f32.s32 s3;
	_ =	sdelay $0x1  }
0x37: {  	s7 =	simm.s32 $0x1;
	s4 =	sadd.s32 $0x1, s3;
	p0 =	slt.u32 s3, $0x7FFFFFFF  }
0x38: {  	s7 =	simm.s32 @!p0 $0x0;
	s8 =	sshra.s32 s4, $0x1F  }
0x39: {  	s30 =	sand.u32 $0x1, s4;
	s7 =	sadd.s32 s7, s8  }
0x3a: {  	p1 =	seq.s32 s30, $0x1;
	p6 =	sne.s32 s7, $0x1  }
0x3b: {  	s31 =	sshrl.u32 s4, $0x1F;
	p0 =	por !p6, !p1  }
0x3c: {  	s4 =	sadd.s32 s31, s4;
	s7 =	simm.s32 $0x1;
	p0 =	por !p0, !p0  }
0x3d: {  	s4 =	sshra.s32 s4, $0x1;
	s7 =	simm.s32 @!p0 $0x0  }
0x3e: {  	s4 =	ssub.s32 s4, s7  }
0x3f: {  	p0 =	slt.s32 s4, $0x1  }
.Ltmp3:
0x40: {  	[tilespmem:s6+$0xB480] =	vst v2;
	(pc) =	sbr.rel @p0 .LBB2_16-.Ltmp3, $4  }
0x41: {  	[tilespmem:s6+$0xA080] =	vst v1  }
0x42: {  	[tilespmem:s6+$0x8C80] =	vst v1  }
0x43: {  	[tilespmem:s6+$0x6480] =	vst v0  }
0x44: {  	[tilespmem:s6+$0x7880] =	vst v0  }
0x45: {  	v0 =	vimm.s32 $0xEFCDAB89;
	v1 =	vimm.s32 $0x67452301;
	v2 =	vimm.s32 $0xDCFE98BA  }
0x46: {  	v3 =	vimm.s32 $0x54761032;
	v4 =	vimm.s32 $0xBA98FEDC;
	v5 =	vimm.s32 $0x32107654  }
0x47: {  	v6 =	vimm.s32 $0xFEDCBA98;
	v7 =	vimm.s32 $0x76543210;
	v0 =	vunpack.c.l.s4.s8 v0  }
0x48: {  	v1 =	vunpack.c.l.s4.s8 v1;
	v2 =	vunpack.c.l.s4.s8 v2;
	v3 =	vunpack.c.l.s4.s8 v3  }
0x49: {  	v4 =	vunpack.c.l.s4.s8 v4;
	v5 =	vunpack.c.l.s4.s8 v5;
	v6 =	vunpack.c.l.s4.s8 v6  }
0x4a: {  	v0 =	vunpack.c.0.s8.s32 v0;
	v1 =	vunpack.c.0.s8.s32 v1;
	v2 =	vunpack.c.0.s8.s32 v2  }
0x4b: {  	s5 =	scvt.f32.s32 s5;
	v3 =	vunpack.c.0.s8.s32 v3;
	v4 =	vunpack.c.0.s8.s32 v4;
	v5 =	vunpack.c.0.s8.s32 v5  }
.Ltmp4:
0x4c: {  	s6 =	simm.s32 $0x0;
	s7 =	simm.s32 $0x5000;
	v7 =	vunpack.c.l.s4.s8 v7;
	v1 =	vcombine.low v1, v0;
	(pc) =	sbr.rel .LBB2_7-.Ltmp4, $4  }
0x4d: {  	s8 =	simm.s32 $0x1400;
	s9 =	simm.s32 $0x2800;
	s10 =	simm.s32 $0x3C00;
	v2 =	vcombine.low v3, v2;
	v3 =	vcombine.low v5, v4;
	v4 =	vunpack.c.0.s8.s32 v6  }
0x4e: {  	s11 =	simm.f32 $5.000000000e-01;
	s12 =	simm.s32 $0xC880;
	s13 =	simm.s32 $0x6480;
	vm0 =	vmmov $0x1;
	vm1 =	vmxor vm1, vm1;
	v5 =	vunpack.c.0.s8.s32 v7  }
0x4f: {  	s14 =	simm.s32 $0x7880;
	s15 =	simm.s32 $0x8C80;
	s16 =	simm.s32 $0xA080;
	v0 =	vimm.f32 $0.0e+00;
	v1 =	vand.u32 $0xF, v1;
	v4 =	vand.u32 $0xF, v4  }
0x50: {  	s17 =	simm.s32 $0xB480;
	s19 =	simm.s32 $0x0;
	s18 =	simm.s32 $0x0;
	v2 =	vand.u32 $0xF, v2;
	v3 =	vand.u32 $0xF, v3;
	v4 =	vcombine.low v4, v5  }
.LBB2_9:
0x51: {  	v23 =	vimm.f32 $0.0e+00;
	v24 =	vimm.f32 $0.0e+00  }
.LBB2_14:
0x52: {  	v20 =	vmax.f32 v31, $0.0e+00  }
0x53: {  	v57 =	vmax.f32 v32, $0.0e+00;
	v29 =	vmax.f32 v29, $0.0e+00;
	v30 =	vmul.f32 v33, v30  }
0x54: {  	v26 =	vmax.f32 v26, $0.0e+00;
	v27 =	vmax.f32 v27, $0.0e+00;
	v20 =	vmul.f32 v29, v20  }
0x55: {  	v25 =	vmax.f32 v25, $0.0e+00;
	v26 =	vmul.f32 v26, v57;
	v19 =	vsub.f32 v19, v30  }
0x56: {  	v58 =	vadd.f32 v28, v11;
	v25 =	vmul.f32 v25, v27;
	v17 =	vsub.f32 v17, v20  }
0x57: {  	v18 =	vsub.f32 v18, v26;
	v19 =	vmax.f32 v19, $9.999999710e-10  }
0x58: {  	v27 =	vsub.f32 v58, v25;
	v17 =	vmax.f32 v17, $9.999999710e-10;
	(erf) = vrcp.f32 v19  }
0x59: {  	v18 =	vmax.f32 v18, $9.999999710e-10;
	(erf) = vrcp.f32 v17  }
0x5a: {  	v17 =	vmax.f32 v27, $9.999999710e-10;
	(erf) = vrcp.f32 v18  }
0x5b: {  	(erf) = vrcp.f32 v17;
	_ =	sdelay $0x1  }
0x5c: {  	v17 =	vmul.f32 @p0 v35, v21;
	_ =	sdelay $0x1  }
0x5d: {  	v18 =	vmul.f32 @p0 v37, v22  }
0x5e: {  	vm2 =	vgt.f32 @p0 v36, $5.000000000e-01  }
0x5f: {  	vm5 =	vgt.f32 @p0 v34, $5.000000000e-01;
	vm4 =	vgt.f32 @p0 v18, $5.000000000e-01;
	vm3 =	vgt.f32 @p0 v17, $5.000000000e-01;
	v17 =	vpop (erf)  }
0x60: {  	v21 =	vsel @p0 vm2, $0x3F800000, v0;
	v19 =	vsel @p0 vm4, $0x3F800000, v0;
	v18 =	vsel @p0 vm3, $0x3F800000, v0;
	v59 =	vpop (erf)  }
0x61: {  	v19 =	vmax.f32 @p0 v24, v19;
	v18 =	vmax.f32 @p0 v23, v18;
	v23 =	vsel @p0 vm5, $0x3F800000, v0;
	v60 =	vpop (erf)  }
0x62: {  	v18 =	vmax.f32 @p0 v18, v21;
	v17 =	vmul.f32 v17, v30;
	v20 =	vmul.f32 v59, v20;
	v61 =	vpop (erf)  }
0x63: {  	v19 =	vmax.f32 @p0 v19, v23;
	v62 =	vmul.f32 v60, v26;
	v21 =	vmul.f32 v61, v25  }
0x64: {  	v18 =	vpsel p0, v18, v0;
	v19 =	vpsel p0, v19, v0;
	vm2 =	vgt.f32 v17, $5.000000000e-01  }
0x65: {  	vm15 =	vgt.f32 v20, $5.000000000e-01;
	vm3 =	vgt.f32 v62, $5.000000000e-01;
	vm14 =	vgt.f32 v21, $5.000000000e-01  }
0x66: {  	v63 =	vsel vm2, $0x3F800000, v0;
	v17 =	vsel vm3, $0x3F800000, v0;
	v20 =	vsel vm14, $0x3F800000, v0  }
0x67: {  	v17 =	vmax.f32 v18, v17;
	v19 =	vmax.f32 v19, v20;
	v20 =	vsel vm15, $0x3F800000, v0  }
0x68: {  	v18 =	vmax.f32 v17, v63;
	v17 =	vmax.f32 v19, v20  }
.LBB2_15:
0x69: {  	v19 =	vmax.f32 v7, v12  }
0x6a: {  	v20 =	vmax.f32 v8, v13;
	v21 =	vmin.f32 v9, v15;
	v22 =	vmin.f32 v10, v14  }
0x6b: {  	v19 =	vsub.f32 v21, v19;
	v20 =	vsub.f32 v22, v20;
	_ =	sdelay $0x1  }
0x6c: {  	v19 =	vmax.f32 v19, $0.0e+00;
	v20 =	vmax.f32 v20, $0.0e+00  }
0x6d: {  	v54 =	vadd.f32 v11, v16;
	v19 =	vmul.f32 v20, v19;
	_ =	sdelay $0x1  }
0x6e: {  	v20 =	vsub.f32 v54, v19;
	_ =	sdelay $0x1  }
0x6f: {  	v20 =	vmax.f32 v20, $9.999999710e-10  }
0x70: {  	(erf) = vrcp.f32 v20  }
0x71: {  	v55 =	vperm.xlane v18, v1;
	_ =	sdelay $0x1  }
0x72: {  	v57 =	vperm.xlane v17, v1;
	v18 =	vmax.f32 v18, v55  }
0x73: {  	v56 =	vperm.xlane v18, v2  }
0x74: {  	v17 =	vmax.f32 v17, v57  }
0x75: {  	v21 =	vperm.xlane v17, v2;
	v18 =	vmax.f32 v18, v56  }
0x76: {  	v20 =	vperm.xlane v18, v3  }
0x77: {  	v17 =	vmax.f32 v17, v21  }
0x78: {  	v59 =	vperm.xlane v17, v3;
	v18 =	vmax.f32 v18, v20;
	v58 =	vpop (erf)  }
0x79: {  	v20 =	vperm.xlane v18, v4;
	v19 =	vmul.f32 v58, v19;
	_ =	sdelay $0x1  }
0x7a: {  	v17 =	vmax.f32 v17, v59;
	v18 =	vmax.f32 v18, v20;
	vm2 =	vgt.f32 v19, $5.000000000e-01  }
0x7b: {  	v61 =	vperm.xlane v17, v4;
	(v2sf) =	vpush v18, $0x0;
	v60 =	vsel vm2, $0x3F800000, v0  }
0x7c: {  	(v2sf) =	vpush v60, $0x0  }
0x7d: {  	v17 =	vmax.f32 v17, v61  }
0x7e: {  	(v2sf) =	vpush v17, $0x0;
	_ =	sdelay $0xb  }
0x7f: {  	s21 =	spop (v2sf)  }
0x80: {  	p1 =	sgt.f32 s21, $5.000000000e-01;
	s29 =	spop (v2sf)  }
0x81: {  	s20 =	sor.u32 $0x1, s20;
	p3 =	sgt.f32 s29, s11  }
0x82: {  	p2 =	slt.s32 s20, s3;
	vm2 =	vmmov vm1;
	p0 =	por !p1, !p1;
	s30 =	spop (v2sf)  }
0x83: {  	vm3 =	vmmov vm1;
	vm2 =	vmneg @p2 vm2;
	p4 =	sgt.f32 s30, $5.000000000e-01;
	p3 =	por !p3, !p0  }
0x84: {  	vm2 =	vmand vm2, vm0;
	vm3 =	vmneg @p0 vm3;
	p3 =	por !p3, !p3  }
0x85: {  	vm3 =	vmand vm3, vm0;
	p3 =	por p3, p4  }
0x86: {  	v62 =	vmov s19;
	s20 =	simm.f32 $0.0e+00;
	p4 =	por !p3, !p3  }
0x87: {  	s21 =	simm.f32 $0.0e+00;
	s20 =	simm.s32 @!p1 $0x3F800000;
	p2 =	por !p2, !p4  }
0x88: {  	vm4 =	vmmov vm1;
	v63 =	vmov s20;
	s20 =	simm.s32 $0x1;
	s21 =	simm.s32 @!p3 $0x3F800000;
	p1 =	por !p2, !p2  }
0x89: {  	[tilespmem:v6+s12+$0x0] =	vst.idx.msk $0x1, v63;
	s20 =	simm.s32 @!p0 $0x0;
	v6 =	vmov s21;
	vm4 =	vmneg @p1 vm4  }
0x8a: {  	s31 =	sadd.s32 s19, s20;
	[tilespmem:v5+s12+$0x0] =	vst.idx.msk vm2, v6;
	vm2 =	vmand vm4, vm0  }
0x8b: {  	v5 =	vmov s31;
	[tilespmem:v62+s13+$0x0] =	vst.idx.msk vm3, v7  }
0x8c: {  	[tilespmem:v62+s14+$0x0] =	vst.idx.msk vm3, v8  }
0x8d: {  	[tilespmem:v62+s15+$0x0] =	vst.idx.msk vm3, v9  }
0x8e: {  	s18 =	sadd.s32 $0x1, s18;
	[tilespmem:v62+s16+$0x0] =	vst.idx.msk vm3, v10  }
0x8f: {  	p0 =	sne.s32 s18, s4;
	[tilespmem:v62+s17+$0x0] =	vst.idx.msk vm3, v16  }
.Ltmp5:
0x90: {  	[tilespmem:v5+s13+$0x0] =	vst.idx.msk vm2, v12;
	(pc) =	sbr.rel @!p0 .LBB2_16-.Ltmp5, $4  }
0x91: {  	[tilespmem:v5+s14+$0x0] =	vst.idx.msk vm2, v13  }
0x92: {  	s20 =	simm.s32 $0x1;
	[tilespmem:v5+s15+$0x0] =	vst.idx.msk vm2, v15  }
0x93: {  	s20 =	simm.s32 @!p1 $0x0;
	[tilespmem:v5+s16+$0x0] =	vst.idx.msk vm2, v14  }
0x94: {  	s19 =	sadd.s32 s20, s31;
	[tilespmem:v5+s17+$0x0] =	vst.idx.msk vm2, v11  }
.LBB2_7:
0x95: {  	s20 =	sshll.u32 s18, $0x1  }
0x96: {  	s21 =	sadd.s32 s5, s20  }
0x97: {  	v6 =	vmov s21;
	_ =	sdelay $0x2  }
0x98: {  	v5 =	vadd.s32 $0x1, v6;
	_ =	sdelay $0x1  }
0x99: {  	v7 =	vld.idx.msk [tilespmem:v6+s7+$0x0], $0xffff;
	_ =	sdelay $0x2  }
0x9a: {  	v8 =	vld.idx.msk [tilespmem:v5+s7+$0x0], $0xffff;
	_ =	sdelay $0x1  }
0x9b: {  	v7 =	vtrunc.f32 v7  }
0x9c: {  	v7 =	vcvt.f32.s32 v7;
	_ =	sdelay $0x1  }
0x9d: {  	v8 =	vtrunc.f32 v8  }
0x9e: {  	v8 =	vcvt.f32.s32 v8;
	_ =	sdelay $0x2  }
0x9f: {  	v9 =	vld.idx.msk [tilespmem:v7+s6+$0x0], $0xffff  }
0xa0: {  	s30 =	sadd.s32 $0x1F, s19;
	v10 =	vld.idx.msk [tilespmem:v7+s9+$0x0], $0xffff  }
0xa1: {  	s22 =	sand.u32 $0x1F, s30;
	v11 =	vld.idx.msk [tilespmem:v7+s10+$0x0], $0xffff  }
0xa2: {  	s31 =	sshra.s32 s30, $0x1F;
	p1 =	slt.s32 s30, $0x1;
	p0 =	sne.s32 s22, $0x0;
	v12 =	vld.idx.msk [tilespmem:v8+s9+$0x0], $0xffff  }
0xa3: {  	s22 =	sshrl.u32 s31, $0x1B;
	p0 =	por !p1, !p0;
	v13 =	vld.idx.msk [tilespmem:v8+s10+$0x0], $0xffff  }
0xa4: {  	s21 =	sadd.s32 s22, s30;
	s22 =	simm.s32 $0x1;
	p0 =	por !p0, !p0;
	v14 =	vld.idx.msk [tilespmem:v7+s8+$0x0], $0xffff  }
0xa5: {  	s21 =	sshra.s32 s21, $0x5;
	s22 =	simm.s32 @!p0 $0x0;
	v17 =	vld.idx.msk [tilespmem:v8+s6+$0x0], $0xffff;
	v15 =	vand.u32 $0x7FFFFFFF, v10  }
0xa6: {  	s21 =	ssub.s32 s21, s22;
	v18 =	vld.idx.msk [tilespmem:v8+s8+$0x0], $0xffff;
	v11 =	vand.u32 $0x7FFFFFFF, v11;
	v10 =	vmul.f32 $5.000000000e-01, v15  }
0xa7: {  	p0 =	slt.s32 s21, $0x1;
	v16 =	vmul.f32 $5.000000000e-01, v11;
	v19 =	vand.u32 $0x7FFFFFFF, v12  }
.Ltmp6:
0xa8: {  	v20 =	vand.u32 $0x7FFFFFFF, v13;
	v21 =	vmul.f32 $5.000000000e-01, v19;
	v7 =	vsub.f32 v9, v10;
	(pc) =	sbr.rel @p0 .LBB2_15-.Ltmp6, $4  }
0xa9: {  	v22 =	vmul.f32 $5.000000000e-01, v20;
	v8 =	vsub.f32 v14, v16;
	v9 =	vadd.f32 v10, v9  }
0xaa: {  	v10 =	vadd.f32 v16, v14;
	v16 =	vmul.f32 v11, v15;
	v12 =	vsub.f32 v17, v21  }
0xab: {  	v11 =	vmul.f32 v20, v19;
	v13 =	vsub.f32 v18, v22;
	v15 =	vadd.f32 v21, v17  }
0xac: {  	v14 =	vadd.f32 v22, v18;
	v18 =	vimm.f32 $0.0e+00;
	v17 =	vimm.f32 $0.0e+00  }
0xad: {  	s22 =	simm.s32 $0xB490  }
0xae: {  	v17 =	vld [tilespmem:s22+$0x0]  }
0xaf: {  	s23 =	simm.s32 $0x6490;
	v28 =	vld [tilespmem:s22+$0xFFFFFFF0]  }
0xb0: {  	s31 =	simm.s32 $0x7890;
	v20 =	vld [tilespmem:s23+$0x0]  }
0xb1: {  	s24 =	simm.s32 $0x8C90;
	v21 =	vld [tilespmem:s31+$0x0]  }
0xb2: {  	s25 =	simm.s32 $0xA090;
	v22 =	vld [tilespmem:s24+$0x0]  }
0xb3: {  	v23 =	vld [tilespmem:s25+$0x0]  }
0xb4: {  	v24 =	vld [tilespmem:s23+$0xFFFFFFF0]  }
0xb5: {  	v25 =	vld [tilespmem:s31+$0xFFFFFFF0]  }
0xb6: {  	v26 =	vld [tilespmem:s24+$0xFFFFFFF0]  }
0xb7: {  	v27 =	vld [tilespmem:s25+$0xFFFFFFF0];
	v19 =	vadd.f32 v17, v16;
	v17 =	vadd.f32 v17, v11  }
0xb8: {  	v18 =	vadd.f32 v28, v16;
	v29 =	vmax.f32 v20, v7;
	v30 =	vmax.f32 v21, v8  }
0xb9: {  	v31 =	vmin.f32 v22, v9;
	v32 =	vmin.f32 v23, v10;
	v20 =	vmax.f32 v20, v12  }
0xba: {  	v21 =	vmax.f32 v21, v13;
	v22 =	vmin.f32 v22, v15;
	v33 =	vmax.f32 v24, v7  }
0xbb: {  	p1 =	sne.s32 s21, $0x1;
	v34 =	vmax.f32 v25, v8;
	v23 =	vmin.f32 v23, v14;
	v35 =	vmin.f32 v26, v9  }
.Ltmp7:
0xbc: {  	v36 =	vmin.f32 v27, v10;
	v24 =	vmax.f32 v24, v12;
	v37 =	vsub.f32 v31, v29;
	(pc) =	sbr.rel @!p1 .LBB2_9-.Ltmp7, $4  }
0xbd: {  	v25 =	vmax.f32 v25, v13;
	v38 =	vsub.f32 v32, v30;
	v31 =	vsub.f32 v22, v20  }
0xbe: {  	v63 =	vmin.f32 v27, v14;
	v29 =	vsub.f32 v23, v21;
	v32 =	vsub.f32 v35, v33  }
0xbf: {  	v20 =	vmin.f32 v26, v15;
	v26 =	vsub.f32 v36, v34;
	v25 =	vsub.f32 v63, v25  }
0xc0: {  	s26 =	sadd.s32 $0xFFFFFFFF, s21;
	p0 =	por $0x0, $0x0;
	v27 =	vsub.f32 v20, v24;
	v30 =	vmax.f32 v37, $0.0e+00;
	v33 =	vmax.f32 v38, $0.0e+00  }
0xc1: {  	s21 =	simm.s32 $0xB4B0  }
0xc2: {  	v21 =	vmax.f32 v31, $0.0e+00;
	v23 =	vld [tilespmem:s21+$0x0]  }
0xc3: {  	s22 =	simm.s32 $0x64B0;
	v22 =	vmax.f32 v32, $0.0e+00;
	v24 =	vmax.f32 v29, $0.0e+00;
	v34 =	vmul.f32 v33, v30;
	v20 =	vld [tilespmem:s21+$0xFFFFFFF0]  }
0xc4: {  	v26 =	vmax.f32 v26, $0.0e+00;
	s24 =	simm.s32 $0x8CB0;
	v29 =	vld [tilespmem:s22+$0x0];
	v27 =	vmax.f32 v27, $0.0e+00;
	v24 =	vmul.f32 v24, v21  }
0xc5: {  	s25 =	simm.s32 $0xA0B0;
	v31 =	vld [tilespmem:s24+$0x0];
	v21 =	vmul.f32 v26, v22;
	v22 =	vmax.f32 v25, $0.0e+00;
	v26 =	vadd.f32 v28, v11  }
0xc6: {  	s23 =	simm.s32 $0x78B0;
	v25 =	vld [tilespmem:s25+$0x0];
	v19 =	vsub.f32 v19, v34;
	v22 =	vmul.f32 v22, v27;
	v17 =	vsub.f32 v17, v24  }
0xc7: {  	v28 =	vld [tilespmem:s23+$0xFFFFFFF0];
	v18 =	vsub.f32 v18, v21  }
0xc8: {  	v60 =	vld [tilespmem:s24+$0xFFFFFFF0];
	v19 =	vmax.f32 v19, $9.999999710e-10;
	v26 =	vsub.f32 v26, v22;
	v17 =	vmax.f32 v17, $9.999999710e-10  }
0xc9: {  	v61 =	vld [tilespmem:s25+$0xFFFFFFF0];
	(erf) = vrcp.f32 v19;
	v18 =	vmax.f32 v18, $9.999999710e-10;
	v19 =	vadd.f32 v23, v16  }
0xca: {  	v27 =	vld [tilespmem:s22+$0xFFFFFFF0];
	(erf) = vrcp.f32 v17;
	v17 =	vadd.f32 v23, v11;
	v23 =	vmax.f32 v26, $9.999999710e-10  }
0xcb: {  	v26 =	vmax.f32 v29, v7;
	v35 =	vmin.f32 v31, v9;
	(erf) = vrcp.f32 v18  }
0xcc: {  	v30 =	vld [tilespmem:s23+$0x0];
	v36 =	vmin.f32 v25, v10;
	v29 =	vmax.f32 v29, v12;
	(erf) = vrcp.f32 v23  }
0xcd: {  	v31 =	vmin.f32 v31, v15;
	v38 =	vmax.f32 v28, v8;
	v25 =	vmin.f32 v25, v14  }
0xce: {  	v39 =	vmin.f32 v60, v9;
	v40 =	vmin.f32 v61, v10;
	v28 =	vmax.f32 v28, v13  }
0xcf: {  	v62 =	vmin.f32 v60, v15;
	v18 =	vadd.f32 v20, v16;
	v37 =	vmax.f32 v27, v7  }
0xd0: {  	p1 =	sne.s32 s26, $0x1;
	v27 =	vmax.f32 v27, v12;
	v35 =	vsub.f32 v35, v26;
	v31 =	vsub.f32 v31, v29  }
.Ltmp8:
0xd1: {  	v26 =	vsub.f32 v40, v38;
	v23 =	vmax.f32 v30, v8;
	v32 =	vsub.f32 v39, v37;
	(pc) =	sbr.rel @!p1 .LBB2_11-.Ltmp8, $4  }
0xd2: {  	v30 =	vmax.f32 v30, v13;
	v27 =	vsub.f32 v62, v27;
	v23 =	vsub.f32 v36, v23;
	v41 =	vpop (erf)  }
0xd3: {  	v29 =	vsub.f32 v25, v30;
	v25 =	vmin.f32 v61, v14;
	v30 =	vmax.f32 v35, $0.0e+00;
	v63 =	vpop (erf)  }
0xd4: {  	v25 =	vsub.f32 v25, v28;
	v33 =	vmax.f32 v23, $0.0e+00;
	v23 =	vimm.f32 $0.0e+00;
	v35 =	vpop (erf)  }
0xd5: {  	s26 =	sadd.s32 $0xFFFFFFFF, s26;
	p0 =	por $0x1, $0x1;
	v36 =	vmul.f32 v41, v34;
	v34 =	vmul.f32 v63, v24;
	v24 =	vimm.f32 $0.0e+00;
	v37 =	vpop (erf)  }
.LBB2_12:
0xd6: {  	p1 =	sne.s32 s26, $0x1;
	v28 =	vmax.f32 v31, $0.0e+00;
	v21 =	vmul.f32 v35, v21;
	v22 =	vmul.f32 v37, v22  }
0xd7: {  	v31 =	vmax.f32 v32, $0.0e+00;
	v29 =	vmax.f32 v29, $0.0e+00;
	vm2 =	vgt.f32 v36, $5.000000000e-01  }
0xd8: {  	s21 =	sadd.s32 $0x20, s21;
	vm5 =	vgt.f32 v34, $5.000000000e-01;
	vm3 =	vgt.f32 v21, $5.000000000e-01;
	vm4 =	vgt.f32 v22, $5.000000000e-01  }
0xd9: {  	v34 =	vsel vm2, $0x3F800000, v0;
	v32 =	vld [tilespmem:s21+$0x0];
	v21 =	vsel vm3, $0x3F800000, v0;
	v22 =	vsel vm4, $0x3F800000, v0  }
0xda: {  	s22 =	sadd.s32 $0x20, s22;
	v35 =	vld [tilespmem:s21+$0xFFFFFFF0];
	v21 =	vmax.f32 v23, v21;
	v22 =	vmax.f32 v24, v22;
	v24 =	vsel vm5, $0x3F800000, v0  }
0xdb: {  	v37 =	vmul.f32 v33, v30;
	s23 =	sadd.s32 $0x20, s23;
	v36 =	vld [tilespmem:s22+$0x0];
	v23 =	vmax.f32 v21, v34;
	v24 =	vmax.f32 v22, v24  }
0xdc: {  	s24 =	sadd.s32 $0x20, s24;
	v28 =	vmul.f32 v29, v28;
	v21 =	vmax.f32 v26, $0.0e+00;
	v22 =	vmax.f32 v27, $0.0e+00;
	v30 =	vld [tilespmem:s23+$0x0]  }
0xdd: {  	v25 =	vmax.f32 v25, $0.0e+00;
	s25 =	sadd.s32 $0x20, s25;
	v19 =	vsub.f32 v19, v37;
	v21 =	vmul.f32 v21, v31;
	v26 =	vld [tilespmem:s24+$0x0]  }
0xde: {  	v17 =	vsub.f32 v17, v28;
	v22 =	vmul.f32 v25, v22;
	v25 =	vadd.f32 v20, v11;
	v27 =	vld [tilespmem:s25+$0x0]  }
0xdf: {  	v19 =	vmax.f32 v19, $9.999999710e-10;
	v18 =	vsub.f32 v18, v21;
	v29 =	vld [tilespmem:s22+$0xFFFFFFF0];
	v20 =	vmov v35  }
0xe0: {  	v17 =	vmax.f32 v17, $9.999999710e-10;
	v25 =	vsub.f32 v25, v22;
	v31 =	vld [tilespmem:s23+$0xFFFFFFF0];
	(erf) = vrcp.f32 v19  }
0xe1: {  	v19 =	vadd.f32 v32, v16;
	v18 =	vmax.f32 v18, $9.999999710e-10;
	v33 =	vld [tilespmem:s24+$0xFFFFFFF0];
	(erf) = vrcp.f32 v17  }
0xe2: {  	v25 =	vmax.f32 v25, $9.999999710e-10;
	v17 =	vadd.f32 v32, v11;
	v34 =	vld [tilespmem:s25+$0xFFFFFFF0];
	(erf) = vrcp.f32 v18  }
0xe3: {  	v32 =	vmax.f32 v36, v7;
	v18 =	vadd.f32 v20, v16;
	(erf) = vrcp.f32 v25  }
0xe4: {  	v35 =	vmin.f32 v26, v9;
	v25 =	vmax.f32 v30, v8;
	v38 =	vmin.f32 v27, v10  }
0xe5: {  	v36 =	vmax.f32 v36, v12;
	v26 =	vmin.f32 v26, v15;
	v30 =	vmax.f32 v30, v13  }
0xe6: {  	v27 =	vmin.f32 v27, v14;
	v39 =	vmax.f32 v29, v7;
	v40 =	vmax.f32 v31, v8  }
0xe7: {  	v43 =	vmax.f32 v29, v12;
	v41 =	vmin.f32 v33, v9;
	v42 =	vmin.f32 v34, v10  }
.Ltmp9:
0xe8: {  	v45 =	vsub.f32 v35, v32;
	v38 =	vsub.f32 v38, v25;
	v44 =	vmax.f32 v31, v13;
	(pc) =	sbr.rel @p1 .LBB2_12-.Ltmp9, $4  }
0xe9: {  	v29 =	vsub.f32 v27, v30;
	v31 =	vsub.f32 v26, v36;
	v25 =	vmin.f32 v33, v15;
	v36 =	vpop (erf)  }
0xea: {  	v32 =	vsub.f32 v41, v39;
	v30 =	vmin.f32 v34, v14;
	v26 =	vsub.f32 v42, v40;
	v34 =	vpop (erf)  }
0xeb: {  	v27 =	vsub.f32 v25, v43;
	v25 =	vsub.f32 v30, v44;
	v30 =	vmax.f32 v45, $0.0e+00;
	v35 =	vpop (erf)  }
0xec: {  	s26 =	sadd.s32 $0xFFFFFFFF, s26;
	v33 =	vmax.f32 v38, $0.0e+00;
	v36 =	vmul.f32 v36, v37;
	v34 =	vmul.f32 v34, v28;
	v37 =	vpop (erf)  }
.Ltmp10:
0xed: {  	(pc) =	sbr.rel .LBB2_14-.Ltmp10, $2  }
0xee: {  	_ =	sdelay $0x2  }
0xef: {  	v28 =	vmov v20  }
.LBB2_11:
.Ltmp11:
0xf0: {  	(pc) =	sbr.rel .LBB2_14-.Ltmp11, $2  }
0xf1: {  	_ =	sdelay $0x2  }
0xf2: {  	v23 =	vimm.f32 $0.0e+00;
	v24 =	vimm.f32 $0.0e+00;
	v28 =	vmov v20  }
.LBB2_16:
0xf3: {  	s3 =	simm.s32 $0x0  }
0xf4: {  	s4 =	simm.s32 $0x40;
	v0 =	vld [tilespmem:s3+$0xC880]  }
.LBB2_17:
0xf5: {  	p0 =	sne.s32 s4, $0x4E00  }
.Ltmp12:
0xf6: {  	_ = 	snop;
	(pc) =	sbr.rel @p0 .LBB2_17-.Ltmp12, $3  }
0xf7: {  	_ =	sdelay $0x1  }
0xf8: {  	[tilespmem:s3+$0xDC80] =	vst v0;
	s3 =	sshra.s32 s4, $0x2;
	s4 =	sadd.s32 $0x40, s4  }
0xf9: {  	v0 =	vld [tilespmem:s3+$0xC880]  }
0xfa: {  	_ =	sdelay $0x2  }
0xfb: {  	s30 =	simm.s32 $0x80  }
0xfc: {  	s4 =	simm.s32 $0x400;
	s5 =	simm.s32 $0xDC80;
	s31 =	simm.s32 $0x1;
	[tilespmem:s3+$0xDC80] =	vst v0  }
0xfd: {  	[hbm4b:s2+s30] =	stream.strided.scatter [tilespmem:s5], [sflag:$0x1], $0x1400, s4, s30, $0x38;
	[tilespmem:$0xF080] =	vst v63  }
0xfe: {  	_ =	swait.ge [sflag:s31], $0x1400  }
0xff: {  	[sflag:s31] =	ssyncset.done $0x0  }
0x100: {  	[sflag:s31] =	ssyncadd.s32 $0xFFFFEC00  }
.LBB2_19:
0x101: {  	_ =	sfence.sel $0x180000  }
0x102: {  	[bflag:$0x0] =	sbarrier.arrive $0xFFFF  }
0x103: {  	p0 =	sne.s32 s1, $0x0;
	_ =	strace $0x90000047  }
0x104: {  	s0 =	sadd.s32 @!p0 $0x100000, s0;
	[bflag:$0x2] =	sbarrier.arrive $0xFFFF  }
0x105: {  	[sflag:s0] =	ssyncadd.tile.s32 @!p0 $0x1;
	_ =	shalt  }
.Lfunc_end2:
_tile_overlayer_lowered:
.L_overlay_start_2:
0x106: {  	(tag) =	ssettag $0x2  }
0x107: {  	s0 =	rddreg [dreg:$0x0];
	s2 =	stileid.u32  }
0x108: {  	s1 =	rddreg [dreg:$0x1];
	p0 =	sne.s32 s2, $0x0  }
0x109: {  	s3 =	rddreg [dreg:$0x2];
	[bflag:$0x3] =	sbarrier.arrive $0xFFFF;
	s2 =	simm.s32 @!p0 $0x1C01  }
0x10a: {  	[timem:s3], [sflag:s2] =	dma.local @!p0 [hbm:s0], s1  }
0x10b: {  	s0 =	simm.s32 @!p0 $0x1  }
0x10c: {  	_ =	swait.ge @!p0 [sflag:s0], s1  }
0x10d: {  	s1 =	ssub.s32 @!p0 $0x0, s1;
	[sflag:s0] =	ssyncset.done @!p0 $0x0  }
0x10e: {  	[sflag:s0] =	ssyncadd.s32 @!p0 s1  }
0x10f: {  	[bflag:$0x3] =	sbarrier.arrive $0xFFFF  }
0x110: {  	_ =	shalt  }

</sc_bundles>
